<compile_context>
chip_gen: v7x
topology: tpu7x:2x2x1
jax: 0.10.2.dev20260603
libtpu: 0.0.44.dev20260713+nightly
codegen_flags: <defaults>
</compile_context>

<pallas_src>
import functools

import jax
import jax.numpy as jnp
import numpy as np
from jax import lax
from jax.experimental import pallas as pl
from jax.experimental.pallas import tpu as pltpu
from jax.experimental.pallas import tpu_sc as plsc

S = 512
T = 512
BATCH = 256
BUF_LEN = 21
DT = np.float32(0.001)

_info = plsc.get_sparse_core_info()
NC = _info.num_cores
NS = _info.num_subcores
LANES = _info.num_lanes
NW = NC * NS
TPW = T // NW


def _sc_body(spikes_hbm, delays_hbm, sbuf_hbm, out_hbm, dcol, buf, obuf):
    c = lax.axis_index("c")
    s_ax = lax.axis_index("s")
    w = s_ax * NC + c
    t0 = w * TPW

    pltpu.sync_copy(delays_hbm.at[:, pl.ds(t0, TPW)], dcol)
    pltpu.sync_copy(sbuf_hbm, buf)
    pltpu.sync_copy(spikes_hbm.at[pl.ds(0, 1), :], buf.at[pl.ds(0, 1), :])

    def step(i, acc):
        dv = dcol[i]
        steps = (dv / DT).astype(jnp.int32)
        idx = jnp.where(steps == 0, 0, BUF_LEN - steps)
        idx = jnp.minimum(jnp.maximum(idx, 0), BUF_LEN - 1)
        sv = jnp.full((LANES,), i, jnp.int32)
        g = plsc.load_gather(buf, [idx, sv])
        return acc + jnp.where(steps < BUF_LEN, g, np.float32(0.0))

    acc = lax.fori_loop(0, S, step, jnp.zeros((LANES,), jnp.float32))

    for r in range(BATCH):
        obuf[r] = acc
    pltpu.sync_copy(obuf, out_hbm.at[:, pl.ds(t0, TPW)])


@jax.jit
def _run(input_spikes, delays, spike_buffer):
    mesh = plsc.VectorSubcoreMesh(core_axis_name="c", subcore_axis_name="s")
    return pl.kernel(
        _sc_body,
        out_type=jax.ShapeDtypeStruct((BATCH, T), jnp.float32),
        mesh=mesh,
        scratch_types=[
            pltpu.VMEM((S, TPW), jnp.float32),
            pltpu.VMEM((BUF_LEN, S), jnp.float32),
            pltpu.VMEM((BATCH, TPW), jnp.float32),
        ],
        compiler_params=pltpu.CompilerParams(
            use_tc_tiling_on_sc=False, needs_layout_passes=False
        ),
    )(input_spikes, delays, spike_buffer)


def kernel(input_spikes, delays, spike_buffer):
    return _run(input_spikes, delays, spike_buffer)

# --- scband reference (transcript-rebuilt; emitter-appended) ---
"""Pipeline reference for scband-realistic-delays-37495064494225 (READ-ONLY COPY).

The authoritative reference and input builder live on the scoring server;
editing this copy changes nothing except your own understanding.
"""

import jax, jax.numpy as jnp
import numpy as np

S = 512
T = 512
B = 256
MIN_D = 0.001
MAX_D = 0.02
DT = 0.001
BUF_LEN = int(MAX_D / DT) + 1  # 21


def setup_inputs(seed: int = 0) -> dict:
    key = jax.random.key(seed)
    k1, k2 = jax.random.split(key)
    # forward input: input spikes [batch, source_size]
    input_spikes = jax.random.uniform(k1, (B, S), dtype=jnp.float32)
    # buffers materialized per __init__: delay_scaling='random', delay_noise_std=0
    delays = jax.random.uniform(k2, (S, T), dtype=jnp.float32) * (MAX_D - MIN_D) + MIN_D
    spike_buffer = jnp.zeros((BUF_LEN, S), dtype=jnp.float32)
    return {"input_spikes": input_spikes, "delays": delays, "spike_buffer": spike_buffer}


def reference(input_spikes, delays, spike_buffer):
    # Faithful translation of RealisticDelays.forward with dt=0.001, buffer_index=0.
    dt = DT
    batch_size = input_spikes.shape[0]
    buf_len = spike_buffer.shape[0]
    current_idx = 0  # buffer_index.item() % buf_len on a fresh module
    # spike_buffer[current_idx] = input_spikes[0]  (scatter-overwrite)
    buf = spike_buffer.at[current_idx].set(input_spikes[0])
    # delay_steps = int(delay / dt)  (trunc toward zero, positive -> floor)
    steps = (delays / dt).astype(jnp.int32)  # [S, T]
    mask = steps < buf_len
    # buffer_idx = (current_idx - delay_steps) % buf_len
    buf_idx = jnp.mod(current_idx - steps, buf_len)  # [S, T]
    src_idx = jnp.arange(delays.shape[0], dtype=jnp.int32)[:, None]  # [S, 1]
    # delayed_spike = spike_buffer[buffer_idx, i]  (gather)
    gathered = buf[buf_idx, src_idx]  # [S, T]
    contrib = jnp.where(mask, gathered, jnp.zeros_like(gathered))
    # delayed_spikes[:, j] += delayed_spike  -> same scalar added to every batch row
    col = jnp.sum(contrib, axis=0)  # [T]
    delayed_spikes = jnp.broadcast_to(col[None, :], (batch_size, col.shape[0]))
    return delayed_spikes


if False:  # reference __main__ guard neutralized (emitter)
    out = reference(**setup_inputs())
    print(out.shape, out.dtype)

if __name__ == "__main__":
    import jax
    _d = setup_inputs()
    print(jax.jit(kernel)(*tuple(_d.values())))

</pallas_src>

<mosaic_0001>
#map = affine_map<(d0, d1) -> (0, 0)>
module attributes {stable_mosaic.version = 14 : i64} {
  func.func @_sc_body(%arg0: i32, %arg1: i32, %arg2: memref<256x512xf32, #tpu.memory_space<hbm>>, %arg3: memref<512x512xf32, #tpu.memory_space<hbm>>, %arg4: memref<21x512xf32, #tpu.memory_space<hbm>>, %arg5: memref<256x512xf32, #tpu.memory_space<hbm>>, %arg6: memref<512x16xf32, #tpu.memory_space<vmem>>, %arg7: memref<21x512xf32, #tpu.memory_space<vmem>>, %arg8: memref<256x16xf32, #tpu.memory_space<vmem>>) attributes {dimension_semantics = [#tpu.dimension_semantics<core_parallel>, #tpu.dimension_semantics<subcore_parallel>], iteration_bounds = array<i64: 2, 16>, scalar_prefetch = 0 : i64, scratch_operands = 3 : i64, tpu.core_type = #tpu.core_type<sc_vector_subcore>, window_params = [{transform_indices = #map}, {transform_indices = #map}, {transform_indices = #map}, {transform_indices = #map}]} {
    %mul3A = arith.constant 2 : i32
    %mul3A_0 = arith.muli %arg1, %mul3A : i32
    %add3A = arith.addi %mul3A_0, %arg0 : i32
    %mul3A_1 = arith.constant 16 : i32
    %mul3A_2 = arith.muli %add3A, %mul3A_1 : i32
    "tpu.region"() ({
      %run_scoped3A = tpu.sem_alloc : memref<!tpu.dma_semaphore, #tpu.memory_space<semaphore_mem>>
      %dma_start3A = arith.constant 0 : i32
      %dma_start3A_1032 = tpu.memref_slice %arg3[%dma_start3A, %mul3A_2] : memref<512x512xf32, #tpu.memory_space<hbm>> -> memref<512x16xf32, #tpu.memory_space<hbm>>
      %dma_start3A_1033 = arith.constant 0 : i32
      %dma_start3A_1034 = tpu.memref_slice %arg3[%dma_start3A_1033, %mul3A_2] : memref<512x512xf32, #tpu.memory_space<hbm>> -> memref<512x16xf32, #tpu.memory_space<hbm>>
      tpu.enqueue_dma source(%dma_start3A_1034 : memref<512x16xf32, #tpu.memory_space<hbm>>) target(%arg6 : memref<512x16xf32, #tpu.memory_space<vmem>>) target_semaphore(%run_scoped3A : memref<!tpu.dma_semaphore, #tpu.memory_space<semaphore_mem>>)
      %dma_wait3A = arith.constant 0 : i32
      %dma_wait3A_1035 = tpu.memref_slice %arg3[%dma_wait3A, %mul3A_2] : memref<512x512xf32, #tpu.memory_space<hbm>> -> memref<512x16xf32, #tpu.memory_space<hbm>>
      %dma_wait3A_1036 = arith.constant 0 : i32
      %dma_wait3A_1037 = tpu.memref_slice %arg3[%dma_wait3A_1036, %mul3A_2] : memref<512x512xf32, #tpu.memory_space<hbm>> -> memref<512x16xf32, #tpu.memory_space<hbm>>
      tpu.wait_dma2 semaphore(%run_scoped3A : memref<!tpu.dma_semaphore, #tpu.memory_space<semaphore_mem>>) src(%dma_wait3A_1037 : memref<512x16xf32, #tpu.memory_space<hbm>>) dst(%arg6 : memref<512x16xf32, #tpu.memory_space<vmem>>)
      tpu.yield
    }) : () -> ()
    "tpu.region"() ({
      %run_scoped3A = tpu.sem_alloc : memref<!tpu.dma_semaphore, #tpu.memory_space<semaphore_mem>>
      tpu.enqueue_dma source(%arg4 : memref<21x512xf32, #tpu.memory_space<hbm>>) target(%arg7 : memref<21x512xf32, #tpu.memory_space<vmem>>) target_semaphore(%run_scoped3A : memref<!tpu.dma_semaphore, #tpu.memory_space<semaphore_mem>>)
      tpu.wait_dma2 semaphore(%run_scoped3A : memref<!tpu.dma_semaphore, #tpu.memory_space<semaphore_mem>>) src(%arg4 : memref<21x512xf32, #tpu.memory_space<hbm>>) dst(%arg7 : memref<21x512xf32, #tpu.memory_space<vmem>>)
      tpu.yield
    }) : () -> ()
    "tpu.region"() ({
      %run_scoped3A = tpu.sem_alloc : memref<!tpu.dma_semaphore, #tpu.memory_space<semaphore_mem>>
      %dma_start3A = arith.constant 0 : i32
      %dma_start3A_1032 = arith.constant 0 : i32
      %dma_start3A_1033 = tpu.memref_slice %arg7[%dma_start3A, %dma_start3A_1032] : memref<21x512xf32, #tpu.memory_space<vmem>> -> memref<1x512xf32, #tpu.memory_space<vmem>>
      %dma_start3A_1034 = arith.constant 0 : i32
      %dma_start3A_1035 = arith.constant 0 : i32
      %dma_start3A_1036 = tpu.memref_slice %arg2[%dma_start3A_1034, %dma_start3A_1035] : memref<256x512xf32, #tpu.memory_space<hbm>> -> memref<1x512xf32, #tpu.memory_space<hbm>>
      %dma_start3A_1037 = arith.constant 0 : i32
      %dma_start3A_1038 = arith.constant 0 : i32
      %dma_start3A_1039 = tpu.memref_slice %arg7[%dma_start3A_1037, %dma_start3A_1038] : memref<21x512xf32, #tpu.memory_space<vmem>> -> memref<1x512xf32, #tpu.memory_space<vmem>>
      %dma_start3A_1040 = arith.constant 0 : i32
      %dma_start3A_1041 = arith.constant 0 : i32
      %dma_start3A_1042 = tpu.memref_slice %arg2[%dma_start3A_1040, %dma_start3A_1041] : memref<256x512xf32, #tpu.memory_space<hbm>> -> memref<1x512xf32, #tpu.memory_space<hbm>>
      tpu.enqueue_dma source(%dma_start3A_1042 : memref<1x512xf32, #tpu.memory_space<hbm>>) target(%dma_start3A_1039 : memref<1x512xf32, #tpu.memory_space<vmem>>) target_semaphore(%run_scoped3A : memref<!tpu.dma_semaphore, #tpu.memory_space<semaphore_mem>>)
      %dma_wait3A = arith.constant 0 : i32
      %dma_wait3A_1043 = arith.constant 0 : i32
      %dma_wait3A_1044 = tpu.memref_slice %arg7[%dma_wait3A, %dma_wait3A_1043] : memref<21x512xf32, #tpu.memory_space<vmem>> -> memref<1x512xf32, #tpu.memory_space<vmem>>
      %dma_wait3A_1045 = arith.constant 0 : i32
      %dma_wait3A_1046 = arith.constant 0 : i32
      %dma_wait3A_1047 = tpu.memref_slice %arg2[%dma_wait3A_1045, %dma_wait3A_1046] : memref<256x512xf32, #tpu.memory_space<hbm>> -> memref<1x512xf32, #tpu.memory_space<hbm>>
      %dma_wait3A_1048 = arith.constant 0 : i32
      %dma_wait3A_1049 = arith.constant 0 : i32
      %dma_wait3A_1050 = tpu.memref_slice %arg7[%dma_wait3A_1048, %dma_wait3A_1049] : memref<21x512xf32, #tpu.memory_space<vmem>> -> memref<1x512xf32, #tpu.memory_space<vmem>>
      %dma_wait3A_1051 = arith.constant 0 : i32
      %dma_wait3A_1052 = arith.constant 0 : i32
      %dma_wait3A_1053 = tpu.memref_slice %arg2[%dma_wait3A_1051, %dma_wait3A_1052] : memref<256x512xf32, #tpu.memory_space<hbm>> -> memref<1x512xf32, #tpu.memory_space<hbm>>
      tpu.wait_dma2 semaphore(%run_scoped3A : memref<!tpu.dma_semaphore, #tpu.memory_space<semaphore_mem>>) src(%dma_wait3A_1053 : memref<1x512xf32, #tpu.memory_space<hbm>>) dst(%dma_wait3A_1050 : memref<1x512xf32, #tpu.memory_space<vmem>>)
      tpu.yield
    }) : () -> ()
    %broadcast_in_dim3A = arith.constant 0.000000e+00 : f32
    %broadcast_in_dim3A_3 = vector.broadcast %broadcast_in_dim3A : f32 to vector<16xf32>
    %scan3A = arith.constant 0 : i32
    %scan3A_4 = arith.constant 512 : i32
    %scan3A_5 = arith.addi %scan3A, %scan3A_4 : i32
    %scan3A_6 = arith.constant 1 : i32
    %scan3A_7 = scf.for %scan3A_1032 = %scan3A to %scan3A_5 step %scan3A_6 iter_args(%scan3A_1033 = %broadcast_in_dim3A_3) -> (vector<16xf32>)  : i32 {
      %get3A = arith.index_cast %scan3A_1032 : i32 to index
      %get3A_1034 = arith.constant 0 : index
      %get3A_1035 = tpu.vector_load %arg6[%get3A, %get3A_1034] {strides = array<i32>} : memref<512x16xf32, #tpu.memory_space<vmem>>, vector<16xf32>,
      %div3A = arith.constant 1.000000e-03 : f32
      %div3A_1036 = vector.broadcast %div3A : f32 to vector<16xf32>
      %div3A_1037 = arith.divf %get3A_1035, %div3A_1036 : vector<16xf32>
      %convert_element_type3A = arith.fptosi %div3A_1037 : vector<16xf32> to vector<16xi32>
      %eq3A = arith.constant 0 : i32
      %eq3A_1038 = vector.broadcast %eq3A : i32 to vector<16xi32>
      %eq3A_1039 = arith.cmpi eq, %convert_element_type3A, %eq3A_1038 : vector<16xi32>
      %sub3A = arith.constant 21 : i32
      %sub3A_1040 = vector.broadcast %sub3A : i32 to vector<16xi32>
      %sub3A_1041 = arith.subi %sub3A_1040, %convert_element_type3A : vector<16xi32>
      %jit3A = arith.constant 0 : i32
      %broadcast_in_dim3A_1042 = vector.broadcast %jit3A : i32 to vector<16xi32>
      %select_n3A = arith.select %eq3A_1039, %broadcast_in_dim3A_1042, %sub3A_1041 : vector<16xi1>, vector<16xi32>
      %max3A = arith.constant 0 : i32
      %max3A_1043 = vector.broadcast %max3A : i32 to vector<16xi32>
      %max3A_1044 = arith.maxsi %select_n3A, %max3A_1043 : vector<16xi32>
      %min3A = arith.constant 20 : i32
      %min3A_1045 = vector.broadcast %min3A : i32 to vector<16xi32>
      %min3A_1046 = arith.minsi %max3A_1044, %min3A_1045 : vector<16xi32>
      %broadcast_in_dim3A_1047 = vector.broadcast %scan3A_1032 : i32 to vector<16xi32>
      %gather3A = tpu.vector_load_idx %arg7[%min3A_1046, %broadcast_in_dim3A_1047] : memref<21x512xf32, #tpu.memory_space<vmem>>[vector<16xi32>, vector<16xi32>], vector<16xf32>,
      %lt3A = arith.constant 21 : i32
      %lt3A_1048 = vector.broadcast %lt3A : i32 to vector<16xi32>
      %lt3A_1049 = arith.cmpi slt, %convert_element_type3A, %lt3A_1048 : vector<16xi32>
      %jit3A_1050 = arith.constant 0.000000e+00 : f32
      %broadcast_in_dim3A_1051 = vector.broadcast %jit3A_1050 : f32 to vector<16xf32>
      %select_n3A_1052 = arith.select %lt3A_1049, %gather3A, %broadcast_in_dim3A_1051 : vector<16xi1>, vector<16xf32>
      %add3A_1053 = arith.addf %scan3A_1033, %select_n3A_1052 : vector<16xf32>
      scf.yield %add3A_1053 : vector<16xf32>
    }
    %scan3A_8 = arith.constant 512 : i32
    %swap3A = arith.constant 0 : i32
    %swap3A_9 = arith.index_cast %swap3A : i32 to index
    %swap3A_10 = arith.constant 0 : index
    %swap3A_11 = tpu.vector_load %arg8[%swap3A_9, %swap3A_10] {strides = array<i32>} : memref<256x16xf32, #tpu.memory_space<vmem>>, vector<16xf32>,
    tpu.vector_store %arg8[%swap3A_9, %swap3A_10], %scan3A_7 {strides = array<i32>} : memref<256x16xf32, #tpu.memory_space<vmem>>, vector<16xf32>,
    %swap3A_12 = arith.constant 1 : i32
    %swap3A_13 = arith.index_cast %swap3A_12 : i32 to index
    %swap3A_14 = arith.constant 0 : index
    %swap3A_15 = tpu.vector_load %arg8[%swap3A_13, %swap3A_14] {strides = array<i32>} : memref<256x16xf32, #tpu.memory_space<vmem>>, vector<16xf32>,
    tpu.vector_store %arg8[%swap3A_13, %swap3A_14], %scan3A_7 {strides = array<i32>} : memref<256x16xf32, #tpu.memory_space<vmem>>, vector<16xf32>,
    %swap3A_16 = arith.constant 2 : i32
    %swap3A_17 = arith.index_cast %swap3A_16 : i32 to index
    %swap3A_18 = arith.constant 0 : index
    %swap3A_19 = tpu.vector_load %arg8[%swap3A_17, %swap3A_18] {strides = array<i32>} : memref<256x16xf32, #tpu.memory_space<vmem>>, vector<16xf32>,
    tpu.vector_store %arg8[%swap3A_17, %swap3A_18], %scan3A_7 {strides = array<i32>} : memref<256x16xf32, #tpu.memory_space<vmem>>, vector<16xf32>,
    %swap3A_20 = arith.constant 3 : i32
    %swap3A_21 = arith.index_cast %swap3A_20 : i32 to index
    %swap3A_22 = arith.constant 0 : index
    %swap3A_23 = tpu.vector_load %arg8[%swap3A_21, %swap3A_22] {strides = array<i32>} : memref<256x16xf32, #tpu.memory_space<vmem>>, vector<16xf32>,
    tpu.vector_store %arg8[%swap3A_21, %swap3A_22], %scan3A_7 {strides = array<i32>} : memref<256x16xf32, #tpu.memory_space<vmem>>, vector<16xf32>,
    %swap3A_24 = arith.constant 4 : i32
    %swap3A_25 = arith.index_cast %swap3A_24 : i32 to index
    %swap3A_26 = arith.constant 0 : index
    %swap3A_27 = tpu.vector_load %arg8[%swap3A_25, %swap3A_26] {strides = array<i32>} : memref<256x16xf32, #tpu.memory_space<vmem>>, vector<16xf32>,
    tpu.vector_store %arg8[%swap3A_25, %swap3A_26], %scan3A_7 {strides = array<i32>} : memref<256x16xf32, #tpu.memory_space<vmem>>, vector<16xf32>,
    %swap3A_28 = arith.constant 5 : i32
    %swap3A_29 = arith.index_cast %swap3A_28 : i32 to index
    %swap3A_30 = arith.constant 0 : index
    %swap3A_31 = tpu.vector_load %arg8[%swap3A_29, %swap3A_30] {strides = array<i32>} : memref<256x16xf32, #tpu.memory_space<vmem>>, vector<16xf32>,
    tpu.vector_store %arg8[%swap3A_29, %swap3A_30], %scan3A_7 {strides = array<i32>} : memref<256x16xf32, #tpu.memory_space<vmem>>, vector<16xf32>,
    %swap3A_32 = arith.constant 6 : i32
    %swap3A_33 = arith.index_cast %swap3A_32 : i32 to index
    %swap3A_34 = arith.constant 0 : index
    %swap3A_35 = tpu.vector_load %arg8[%swap3A_33, %swap3A_34] {strides = array<i32>} : memref<256x16xf32, #tpu.memory_space<vmem>>, vector<16xf32>,
    tpu.vector_store %arg8[%swap3A_33, %swap3A_34], %scan3A_7 {strides = array<i32>} : memref<256x16xf32, #tpu.memory_space<vmem>>, vector<16xf32>,
    %swap3A_36 = arith.constant 7 : i32
    %swap3A_37 = arith.index_cast %swap3A_36 : i32 to index
    %swap3A_38 = arith.constant 0 : index
    %swap3A_39 = tpu.vector_load %arg8[%swap3A_37, %swap3A_38] {strides = array<i32>} : memref<256x16xf32, #tpu.memory_space<vmem>>, vector<16xf32>,
    tpu.vector_store %arg8[%swap3A_37, %swap3A_38], %scan3A_7 {strides = array<i32>} : memref<256x16xf32, #tpu.memory_space<vmem>>, vector<16xf32>,
    %swap3A_40 = arith.constant 8 : i32
    %swap3A_41 = arith.index_cast %swap3A_40 : i32 to index
    %swap3A_42 = arith.constant 0 : index
    %swap3A_43 = tpu.vector_load %arg8[%swap3A_41, %swap3A_42] {strides = array<i32>} : memref<256x16xf32, #tpu.memory_space<vmem>>, vector<16xf32>,
    tpu.vector_store %arg8[%swap3A_41, %swap3A_42], %scan3A_7 {strides = array<i32>} : memref<256x16xf32, #tpu.memory_space<vmem>>, vector<16xf32>,
    %swap3A_44 = arith.constant 9 : i32
    %swap3A_45 = arith.index_cast %swap3A_44 : i32 to index
    %swap3A_46 = arith.constant 0 : index
    %swap3A_47 = tpu.vector_load %arg8[%swap3A_45, %swap3A_46] {strides = array<i32>} : memref<256x16xf32, #tpu.memory_space<vmem>>, vector<16xf32>,
    tpu.vector_store %arg8[%swap3A_45, %swap3A_46], %scan3A_7 {strides = array<i32>} : memref<256x16xf32, #tpu.memory_space<vmem>>, vector<16xf32>,
    %swap3A_48 = arith.constant 10 : i32
    %swap3A_49 = arith.index_cast %swap3A_48 : i32 to index
    %swap3A_50 = arith.constant 0 : index
    %swap3A_51 = tpu.vector_load %arg8[%swap3A_49, %swap3A_50] {strides = array<i32>} : memref<256x16xf32, #tpu.memory_space<vmem>>, vector<16xf32>,
    tpu.vector_store %arg8[%swap3A_49, %swap3A_50], %scan3A_7 {strides = array<i32>} : memref<256x16xf32, #tpu.memory_space<vmem>>, vector<16xf32>,
    %swap3A_52 = arith.constant 11 : i32
    %swap3A_53 = arith.index_cast %swap3A_52 : i32 to index
    %swap3A_54 = arith.constant 0 : index
    %swap3A_55 = tpu.vector_load %arg8[%swap3A_53, %swap3A_54] {strides = array<i32>} : memref<256x16xf32, #tpu.memory_space<vmem>>, vector<16xf32>,
    tpu.vector_store %arg8[%swap3A_53, %swap3A_54], %scan3A_7 {strides = array<i32>} : memref<256x16xf32, #tpu.memory_space<vmem>>, vector<16xf32>,
    %swap3A_56 = arith.constant 12 : i32
    %swap3A_57 = arith.index_cast %swap3A_56 : i32 to index
    %swap3A_58 = arith.constant 0 : index
    %swap3A_59 = tpu.vector_load %arg8[%swap3A_57, %swap3A_58] {strides = array<i32>} : memref<256x16xf32, #tpu.memory_space<vmem>>, vector<16xf32>,
    tpu.vector_store %arg8[%swap3A_57, %swap3A_58], %scan3A_7 {strides = array<i32>} : memref<256x16xf32, #tpu.memory_space<vmem>>, vector<16xf32>,
    %swap3A_60 = arith.constant 13 : i32
    %swap3A_61 = arith.index_cast %swap3A_60 : i32 to index
    %swap3A_62 = arith.constant 0 : index
    %swap3A_63 = tpu.vector_load %arg8[%swap3A_61, %swap3A_62] {strides = array<i32>} : memref<256x16xf32, #tpu.memory_space<vmem>>, vector<16xf32>,
    tpu.vector_store %arg8[%swap3A_61, %swap3A_62], %scan3A_7 {strides = array<i32>} : memref<256x16xf32, #tpu.memory_space<vmem>>, vector<16xf32>,
    %swap3A_64 = arith.constant 14 : i32
    %swap3A_65 = arith.index_cast %swap3A_64 : i32 to index
    %swap3A_66 = arith.constant 0 : index
    %swap3A_67 = tpu.vector_load %arg8[%swap3A_65, %swap3A_66] {strides = array<i32>} : memref<256x16xf32, #tpu.memory_space<vmem>>, vector<16xf32>,
    tpu.vector_store %arg8[%swap3A_65, %swap3A_66], %scan3A_7 {strides = array<i32>} : memref<256x16xf32, #tpu.memory_space<vmem>>, vector<16xf32>,
    %swap3A_68 = arith.constant 15 : i32
    %swap3A_69 = arith.index_cast %swap3A_68 : i32 to index
    %swap3A_70 = arith.constant 0 : index
    %swap3A_71 = tpu.vector_load %arg8[%swap3A_69, %swap3A_70] {strides = array<i32>} : memref<256x16xf32, #tpu.memory_space<vmem>>, vector<16xf32>,
    tpu.vector_store %arg8[%swap3A_69, %swap3A_70], %scan3A_7 {strides = array<i32>} : memref<256x16xf32, #tpu.memory_space<vmem>>, vector<16xf32>,
    %swap3A_72 = arith.constant 16 : i32
    %swap3A_73 = arith.index_cast %swap3A_72 : i32 to index
    %swap3A_74 = arith.constant 0 : index
    %swap3A_75 = tpu.vector_load %arg8[%swap3A_73, %swap3A_74] {strides = array<i32>} : memref<256x16xf32, #tpu.memory_space<vmem>>, vector<16xf32>,
    tpu.vector_store %arg8[%swap3A_73, %swap3A_74], %scan3A_7 {strides = array<i32>} : memref<256x16xf32, #tpu.memory_space<vmem>>, vector<16xf32>,
    %swap3A_76 = arith.constant 17 : i32
    %swap3A_77 = arith.index_cast %swap3A_76 : i32 to index
    %swap3A_78 = arith.constant 0 : index
    %swap3A_79 = tpu.vector_load %arg8[%swap3A_77, %swap3A_78] {strides = array<i32>} : memref<256x16xf32, #tpu.memory_space<vmem>>, vector<16xf32>,
    tpu.vector_store %arg8[%swap3A_77, %swap3A_78], %scan3A_7 {strides = array<i32>} : memref<256x16xf32, #tpu.memory_space<vmem>>, vector<16xf32>,
    %swap3A_80 = arith.constant 18 : i32
    %swap3A_81 = arith.index_cast %swap3A_80 : i32 to index
    %swap3A_82 = arith.constant 0 : index
    %swap3A_83 = tpu.vector_load %arg8[%swap3A_81, %swap3A_82] {strides = array<i32>} : memref<256x16xf32, #tpu.memory_space<vmem>>, vector<16xf32>,
    tpu.vector_store %arg8[%swap3A_81, %swap3A_82], %scan3A_7 {strides = array<i32>} : memref<256x16xf32, #tpu.memory_space<vmem>>, vector<16xf32>,
    %swap3A_84 = arith.constant 19 : i32
    %swap3A_85 = arith.index_cast %swap3A_84 : i32 to index
    %swap3A_86 = arith.constant 0 : index
    %swap3A_87 = tpu.vector_load %arg8[%swap3A_85, %swap3A_86] {strides = array<i32>} : memref<256x16xf32, #tpu.memory_space<vmem>>, vector<16xf32>,
    tpu.vector_store %arg8[%swap3A_85, %swap3A_86], %scan3A_7 {strides = array<i32>} : memref<256x16xf32, #tpu.memory_space<vmem>>, vector<16xf32>,
    %swap3A_88 = arith.constant 20 : i32
    %swap3A_89 = arith.index_cast %swap3A_88 : i32 to index
    %swap3A_90 = arith.constant 0 : index
    %swap3A_91 = tpu.vector_load %arg8[%swap3A_89, %swap3A_90] {strides = array<i32>} : memref<256x16xf32, #tpu.memory_space<vmem>>, vector<16xf32>,
    tpu.vector_store %arg8[%swap3A_89, %swap3A_90], %scan3A_7 {strides = array<i32>} : memref<256x16xf32, #tpu.memory_space<vmem>>, vector<16xf32>,
    %swap3A_92 = arith.constant 21 : i32
    %swap3A_93 = arith.index_cast %swap3A_92 : i32 to index
    %swap3A_94 = arith.constant 0 : index
    %swap3A_95 = tpu.vector_load %arg8[%swap3A_93, %swap3A_94] {strides = array<i32>} : memref<256x16xf32, #tpu.memory_space<vmem>>, vector<16xf32>,
    tpu.vector_store %arg8[%swap3A_93, %swap3A_94], %scan3A_7 {strides = array<i32>} : memref<256x16xf32, #tpu.memory_space<vmem>>, vector<16xf32>,
    %swap3A_96 = arith.constant 22 : i32
    %swap3A_97 = arith.index_cast %swap3A_96 : i32 to index
    %swap3A_98 = arith.constant 0 : index
    %swap3A_99 = tpu.vector_load %arg8[%swap3A_97, %swap3A_98] {strides = array<i32>} : memref<256x16xf32, #tpu.memory_space<vmem>>, vector<16xf32>,
    tpu.vector_store %arg8[%swap3A_97, %swap3A_98], %scan3A_7 {strides = array<i32>} : memref<256x16xf32, #tpu.memory_space<vmem>>, vector<16xf32>,
    %swap3A_100 = arith.constant 23 : i32
    %swap3A_101 = arith.index_cast %swap3A_100 : i32 to index
    %swap3A_102 = arith.constant 0 : index
    %swap3A_103 = tpu.vector_load %arg8[%swap3A_101, %swap3A_102] {strides = array<i32>} : memref<256x16xf32, #tpu.memory_space<vmem>>, vector<16xf32>,
    tpu.vector_store %arg8[%swap3A_101, %swap3A_102], %scan3A_7 {strides = array<i32>} : memref<256x16xf32, #tpu.memory_space<vmem>>, vector<16xf32>,
    %swap3A_104 = arith.constant 24 : i32
    %swap3A_105 = arith.index_cast %swap3A_104 : i32 to index
    %swap3A_106 = arith.constant 0 : index
    %swap3A_107 = tpu.vector_load %arg8[%swap3A_105, %swap3A_106] {strides = array<i32>} : memref<256x16xf32, #tpu.memory_space<vmem>>, vector<16xf32>,
    tpu.vector_store %arg8[%swap3A_105, %swap3A_106], %scan3A_7 {strides = array<i32>} : memref<256x16xf32, #tpu.memory_space<vmem>>, vector<16xf32>,
    %swap3A_108 = arith.constant 25 : i32
    %swap3A_109 = arith.index_cast %swap3A_108 : i32 to index
    %swap3A_110 = arith.constant 0 : index
    %swap3A_111 = tpu.vector_load %arg8[%swap3A_109, %swap3A_110] {strides = array<i32>} : memref<256x16xf32, #tpu.memory_space<vmem>>, vector<16xf32>,
    tpu.vector_store %arg8[%swap3A_109, %swap3A_110], %scan3A_7 {strides = array<i32>} : memref<256x16xf32, #tpu.memory_space<vmem>>, vector<16xf32>,
    %swap3A_112 = arith.constant 26 : i32
    %swap3A_113 = arith.index_cast %swap3A_112 : i32 to index
    %swap3A_114 = arith.constant 0 : index
    %swap3A_115 = tpu.vector_load %arg8[%swap3A_113, %swap3A_114] {strides = array<i32>} : memref<256x16xf32, #tpu.memory_space<vmem>>, vector<16xf32>,
    tpu.vector_store %arg8[%swap3A_113, %swap3A_114], %scan3A_7 {strides = array<i32>} : memref<256x16xf32, #tpu.memory_space<vmem>>, vector<16xf32>,
    %swap3A_116 = arith.constant 27 : i32
    %swap3A_117 = arith.index_cast %swap3A_116 : i32 to index
    %swap3A_118 = arith.constant 0 : index
    %swap3A_119 = tpu.vector_load %arg8[%swap3A_117, %swap3A_118] {strides = array<i32>} : memref<256x16xf32, #tpu.memory_space<vmem>>, vector<16xf32>,
    tpu.vector_store %arg8[%swap3A_117, %swap3A_118], %scan3A_7 {strides = array<i32>} : memref<256x16xf32, #tpu.memory_space<vmem>>, vector<16xf32>,
    %swap3A_120 = arith.constant 28 : i32
    %swap3A_121 = arith.index_cast %swap3A_120 : i32 to index
    %swap3A_122 = arith.constant 0 : index
    %swap3A_123 = tpu.vector_load %arg8[%swap3A_121, %swap3A_122] {strides = array<i32>} : memref<256x16xf32, #tpu.memory_space<vmem>>, vector<16xf32>,
    tpu.vector_store %arg8[%swap3A_121, %swap3A_122], %scan3A_7 {strides = array<i32>} : memref<256x16xf32, #tpu.memory_space<vmem>>, vector<16xf32>,
    %swap3A_124 = arith.constant 29 : i32
    %swap3A_125 = arith.index_cast %swap3A_124 : i32 to index
    %swap3A_126 = arith.constant 0 : index
    %swap3A_127 = tpu.vector_load %arg8[%swap3A_125, %swap3A_126] {strides = array<i32>} : memref<256x16xf32, #tpu.memory_space<vmem>>, vector<16xf32>,
    tpu.vector_store %arg8[%swap3A_125, %swap3A_126], %scan3A_7 {strides = array<i32>} : memref<256x16xf32, #tpu.memory_space<vmem>>, vector<16xf32>,
    %swap3A_128 = arith.constant 30 : i32
    %swap3A_129 = arith.index_cast %swap3A_128 : i32 to index
    %swap3A_130 = arith.constant 0 : index
    %swap3A_131 = tpu.vector_load %arg8[%swap3A_129, %swap3A_130] {strides = array<i32>} : memref<256x16xf32, #tpu.memory_space<vmem>>, vector<16xf32>,
    tpu.vector_store %arg8[%swap3A_129, %swap3A_130], %scan3A_7 {strides = array<i32>} : memref<256x16xf32, #tpu.memory_space<vmem>>, vector<16xf32>,
    %swap3A_132 = arith.constant 31 : i32
    %swap3A_133 = arith.index_cast %swap3A_132 : i32 to index
    %swap3A_134 = arith.constant 0 : index
    %swap3A_135 = tpu.vector_load %arg8[%swap3A_133, %swap3A_134] {strides = array<i32>} : memref<256x16xf32, #tpu.memory_space<vmem>>, vector<16xf32>,
    tpu.vector_store %arg8[%swap3A_133, %swap3A_134], %scan3A_7 {strides = array<i32>} : memref<256x16xf32, #tpu.memory_space<vmem>>, vector<16xf32>,
    %swap3A_136 = arith.constant 32 : i32
    %swap3A_137 = arith.index_cast %swap3A_136 : i32 to index
    %swap3A_138 = arith.constant 0 : index
    %swap3A_139 = tpu.vector_load %arg8[%swap3A_137, %swap3A_138] {strides = array<i32>} : memref<256x16xf32, #tpu.memory_space<vmem>>, vector<16xf32>,
    tpu.vector_store %arg8[%swap3A_137, %swap3A_138], %scan3A_7 {strides = array<i32>} : memref<256x16xf32, #tpu.memory_space<vmem>>, vector<16xf32>,
    %swap3A_140 = arith.constant 33 : i32
    %swap3A_141 = arith.index_cast %swap3A_140 : i32 to index
    %swap3A_142 = arith.constant 0 : index
    %swap3A_143 = tpu.vector_load %arg8[%swap3A_141, %swap3A_142] {strides = array<i32>} : memref<256x16xf32, #tpu.memory_space<vmem>>, vector<16xf32>,
    tpu.vector_store %arg8[%swap3A_141, %swap3A_142], %scan3A_7 {strides = array<i32>} : memref<256x16xf32, #tpu.memory_space<vmem>>, vector<16xf32>,
    %swap3A_144 = arith.constant 34 : i32
    %swap3A_145 = arith.index_cast %swap3A_144 : i32 to index
    %swap3A_146 = arith.constant 0 : index
    %swap3A_147 = tpu.vector_load %arg8[%swap3A_145, %swap3A_146] {strides = array<i32>} : memref<256x16xf32, #tpu.memory_space<vmem>>, vector<16xf32>,
    tpu.vector_store %arg8[%swap3A_145, %swap3A_146], %scan3A_7 {strides = array<i32>} : memref<256x16xf32, #tpu.memory_space<vmem>>, vector<16xf32>,
    %swap3A_148 = arith.constant 35 : i32
    %swap3A_149 = arith.index_cast %swap3A_148 : i32 to index
    %swap3A_150 = arith.constant 0 : index
    %swap3A_151 = tpu.vector_load %arg8[%swap3A_149, %swap3A_150] {strides = array<i32>} : memref<256x16xf32, #tpu.memory_space<vmem>>, vector<16xf32>,
    tpu.vector_store %arg8[%swap3A_149, %swap3A_150], %scan3A_7 {strides = array<i32>} : memref<256x16xf32, #tpu.memory_space<vmem>>, vector<16xf32>,
    %swap3A_152 = arith.constant 36 : i32
    %swap3A_153 = arith.index_cast %swap3A_152 : i32 to index
    %swap3A_154 = arith.constant 0 : index
    %swap3A_155 = tpu.vector_load %arg8[%swap3A_153, %swap3A_154] {strides = array<i32>} : memref<256x16xf32, #tpu.memory_space<vmem>>, vector<16xf32>,
    tpu.vector_store %arg8[%swap3A_153, %swap3A_154], %scan3A_7 {strides = array<i32>} : memref<256x16xf32, #tpu.memory_space<vmem>>, vector<16xf32>,
    %swap3A_156 = arith.constant 37 : i32
    %swap3A_157 = arith.index_cast %swap3A_156 : i32 to index
    %swap3A_158 = arith.constant 0 : index
    %swap3A_159 = tpu.vector_load %arg8[%swap3A_157, %swap3A_158] {strides = array<i32>} : memref<256x16xf32, #tpu.memory_space<vmem>>, vector<16xf32>,
    tpu.vector_store %arg8[%swap3A_157, %swap3A_158], %scan3A_7 {strides = array<i32>} : memref<256x16xf32, #tpu.memory_space<vmem>>, vector<16xf32>,
    %swap3A_160 = arith.constant 38 : i32
    %swap3A_161 = arith.index_cast %swap3A_160 : i32 to index
    %swap3A_162 = arith.constant 0 : index
    %swap3A_163 = tpu.vector_load %arg8[%swap3A_161, %swap3A_162] {strides = array<i32>} : memref<256x16xf32, #tpu.memory_space<vmem>>, vector<16xf32>,
    tpu.vector_store %arg8[%swap3A_161, %swap3A_162], %scan3A_7 {strides = array<i32>} : memref<256x16xf32, #tpu.memory_space<vmem>>, vector<16xf32>,
    %swap3A_164 = arith.constant 39 : i32
    %swap3A_165 = arith.index_cast %swap3A_164 : i32 to index
    %swap3A_166 = arith.constant 0 : index
    %swap3A_167 = tpu.vector_load %arg8[%swap3A_165, %swap3A_166] {strides = array<i32>} : memref<256x16xf32, #tpu.memory_space<vmem>>, vector<16xf32>,
    tpu.vector_store %arg8[%swap3A_165, %swap3A_166], %scan3A_7 {strides = array<i32>} : memref<256x16xf32, #tpu.memory_space<vmem>>, vector<16xf32>,
    %swap3A_168 = arith.constant 40 : i32
    %swap3A_169 = arith.index_cast %swap3A_168 : i32 to index
    %swap3A_170 = arith.constant 0 : index
    %swap3A_171 = tpu.vector_load %arg8[%swap3A_169, %swap3A_170] {strides = array<i32>} : memref<256x16xf32, #tpu.memory_space<vmem>>, vector<16xf32>,
    tpu.vector_store %arg8[%swap3A_169, %swap3A_170], %scan3A_7 {strides = array<i32>} : memref<256x16xf32, #tpu.memory_space<vmem>>, vector<16xf32>,
    %swap3A_172 = arith.constant 41 : i32
    %swap3A_173 = arith.index_cast %swap3A_172 : i32 to index
    %swap3A_174 = arith.constant 0 : index
    %swap3A_175 = tpu.vector_load %arg8[%swap3A_173, %swap3A_174] {strides = array<i32>} : memref<256x16xf32, #tpu.memory_space<vmem>>, vector<16xf32>,
    tpu.vector_store %arg8[%swap3A_173, %swap3A_174], %scan3A_7 {strides = array<i32>} : memref<256x16xf32, #tpu.memory_space<vmem>>, vector<16xf32>,
    %swap3A_176 = arith.constant 42 : i32
    %swap3A_177 = arith.index_cast %swap3A_176 : i32 to index
    %swap3A_178 = arith.constant 0 : index
    %swap3A_179 = tpu.vector_load %arg8[%swap3A_177, %swap3A_178] {strides = array<i32>} : memref<256x16xf32, #tpu.memory_space<vmem>>, vector<16xf32>,
    tpu.vector_store %arg8[%swap3A_177, %swap3A_178], %scan3A_7 {strides = array<i32>} : memref<256x16xf32, #tpu.memory_space<vmem>>, vector<16xf32>,
    %swap3A_180 = arith.constant 43 : i32
    %swap3A_181 = arith.index_cast %swap3A_180 : i32 to index
    %swap3A_182 = arith.constant 0 : index
    %swap3A_183 = tpu.vector_load %arg8[%swap3A_181, %swap3A_182] {strides = array<i32>} : memref<256x16xf32, #tpu.memory_space<vmem>>, vector<16xf32>,
    tpu.vector_store %arg8[%swap3A_181, %swap3A_182], %scan3A_7 {strides = array<i32>} : memref<256x16xf32, #tpu.memory_space<vmem>>, vector<16xf32>,
    %swap3A_184 = arith.constant 44 : i32
    %swap3A_185 = arith.index_cast %swap3A_184 : i32 to index
    %swap3A_186 = arith.constant 0 : index
    %swap3A_187 = tpu.vector_load %arg8[%swap3A_185, %swap3A_186] {strides = array<i32>} : memref<256x16xf32, #tpu.memory_space<vmem>>, vector<16xf32>,
    tpu.vector_store %arg8[%swap3A_185, %swap3A_186], %scan3A_7 {strides = array<i32>} : memref<256x16xf32, #tpu.memory_space<vmem>>, vector<16xf32>,
    %swap3A_188 = arith.constant 45 : i32
    %swap3A_189 = arith.index_cast %swap3A_188 : i32 to index
    %swap3A_190 = arith.constant 0 : index
    %swap3A_191 = tpu.vector_load %arg8[%swap3A_189, %swap3A_190] {strides = array<i32>} : memref<256x16xf32, #tpu.memory_space<vmem>>, vector<16xf32>,
    tpu.vector_store %arg8[%swap3A_189, %swap3A_190], %scan3A_7 {strides = array<i32>} : memref<256x16xf32, #tpu.memory_space<vmem>>, vector<16xf32>,
    %swap3A_192 = arith.constant 46 : i32
    %swap3A_193 = arith.index_cast %swap3A_192 : i32 to index
    %swap3A_194 = arith.constant 0 : index
    %swap3A_195 = tpu.vector_load %arg8[%swap3A_193, %swap3A_194] {strides = array<i32>} : memref<256x16xf32, #tpu.memory_space<vmem>>, vector<16xf32>,
    tpu.vector_store %arg8[%swap3A_193, %swap3A_194], %scan3A_7 {strides = array<i32>} : memref<256x16xf32, #tpu.memory_space<vmem>>, vector<16xf32>,
    %swap3A_196 = arith.constant 47 : i32
    %swap3A_197 = arith.index_cast %swap3A_196 : i32 to index
    %swap3A_198 = arith.constant 0 : index
    %swap3A_199 = tpu.vector_load %arg8[%swap3A_197, %swap3A_198] {strides = array<i32>} : memref<256x16xf32, #tpu.memory_space<vmem>>, vector<16xf32>,
    tpu.vector_store %arg8[%swap3A_197, %swap3A_198], %scan3A_7 {strides = array<i32>} : memref<256x16xf32, #tpu.memory_space<vmem>>, vector<16xf32>,
    %swap3A_200 = arith.constant 48 : i32
    %swap3A_201 = arith.index_cast %swap3A_200 : i32 to index
    %swap3A_202 = arith.constant 0 : index
    %swap3A_203 = tpu.vector_load %arg8[%swap3A_201, %swap3A_202] {strides = array<i32>} : memref<256x16xf32, #tpu.memory_space<vmem>>, vector<16xf32>,
    tpu.vector_store %arg8[%swap3A_201, %swap3A_202], %scan3A_7 {strides = array<i32>} : memref<256x16xf32, #tpu.memory_space<vmem>>, vector<16xf32>,
    %swap3A_204 = arith.constant 49 : i32
    %swap3A_205 = arith.index_cast %swap3A_204 : i32 to index
    %swap3A_206 = arith.constant 0 : index
    %swap3A_207 = tpu.vector_load %arg8[%swap3A_205, %swap3A_206] {strides = array<i32>} : memref<256x16xf32, #tpu.memory_space<vmem>>, vector<16xf32>,
    tpu.vector_store %arg8[%swap3A_205, %swap3A_206], %scan3A_7 {strides = array<i32>} : memref<256x16xf32, #tpu.memory_space<vmem>>, vector<16xf32>,
    %swap3A_208 = arith.constant 50 : i32
    %swap3A_209 = arith.index_cast %swap3A_208 : i32 to index
    %swap3A_210 = arith.constant 0 : index
    %swap3A_211 = tpu.vector_load %arg8[%swap3A_209, %swap3A_210] {strides = array<i32>} : memref<256x16xf32, #tpu.memory_space<vmem>>, vector<16xf32>,
    tpu.vector_store %arg8[%swap3A_209, %swap3A_210], %scan3A_7 {strides = array<i32>} : memref<256x16xf32, #tpu.memory_space<vmem>>, vector<16xf32>,
    %swap3A_212 = arith.constant 51 : i32
    %swap3A_213 = arith.index_cast %swap3A_212 : i32 to index
    %swap3A_214 = arith.constant 0 : index
    %swap3A_215 = tpu.vector_load %arg8[%swap3A_213, %swap3A_214] {strides = array<i32>} : memref<256x16xf32, #tpu.memory_space<vmem>>, vector<16xf32>,
    tpu.vector_store %arg8[%swap3A_213, %swap3A_214], %scan3A_7 {strides = array<i32>} : memref<256x16xf32, #tpu.memory_space<vmem>>, vector<16xf32>,
    %swap3A_216 = arith.constant 52 : i32
    %swap3A_217 = arith.index_cast %swap3A_216 : i32 to index
    %swap3A_218 = arith.constant 0 : index
    %swap3A_219 = tpu.vector_load %arg8[%swap3A_217, %swap3A_218] {strides = array<i32>} : memref<256x16xf32, #tpu.memory_space<vmem>>, vector<16xf32>,
    tpu.vector_store %arg8[%swap3A_217, %swap3A_218], %scan3A_7 {strides = array<i32>} : memref<256x16xf32, #tpu.memory_space<vmem>>, vector<16xf32>,
    %swap3A_220 = arith.constant 53 : i32
    %swap3A_221 = arith.index_cast %swap3A_220 : i32 to index
    %swap3A_222 = arith.constant 0 : index
    %swap3A_223 = tpu.vector_load %arg8[%swap3A_221, %swap3A_222] {strides = array<i32>} : memref<256x16xf32, #tpu.memory_space<vmem>>, vector<16xf32>,
    tpu.vector_store %arg8[%swap3A_221, %swap3A_222], %scan3A_7 {strides = array<i32>} : memref<256x16xf32, #tpu.memory_space<vmem>>, vector<16xf32>,
    %swap3A_224 = arith.constant 54 : i32
    %swap3A_225 = arith.index_cast %swap3A_224 : i32 to index
    %swap3A_226 = arith.constant 0 : index
    %swap3A_227 = tpu.vector_load %arg8[%swap3A_225, %swap3A_226] {strides = array<i32>} : memref<256x16xf32, #tpu.memory_space<vmem>>, vector<16xf32>,
    tpu.vector_store %arg8[%swap3A_225, %swap3A_226], %scan3A_7 {strides = array<i32>} : memref<256x16xf32, #tpu.memory_space<vmem>>, vector<16xf32>,
    %swap3A_228 = arith.constant 55 : i32
    %swap3A_229 = arith.index_cast %swap3A_228 : i32 to index
    %swap3A_230 = arith.constant 0 : index
    %swap3A_231 = tpu.vector_load %arg8[%swap3A_229, %swap3A_230] {strides = array<i32>} : memref<256x16xf32, #tpu.memory_space<vmem>>, vector<16xf32>,
    tpu.vector_store %arg8[%swap3A_229, %swap3A_230], %scan3A_7 {strides = array<i32>} : memref<256x16xf32, #tpu.memory_space<vmem>>, vector<16xf32>,
    %swap3A_232 = arith.constant 56 : i32
    %swap3A_233 = arith.index_cast %swap3A_232 : i32 to index
    %swap3A_234 = arith.constant 0 : index
    %swap3A_235 = tpu.vector_load %arg8[%swap3A_233, %swap3A_234] {strides = array<i32>} : memref<256x16xf32, #tpu.memory_space<vmem>>, vector<16xf32>,
    tpu.vector_store %arg8[%swap3A_233, %swap3A_234], %scan3A_7 {strides = array<i32>} : memref<256x16xf32, #tpu.memory_space<vmem>>, vector<16xf32>,
    %swap3A_236 = arith.constant 57 : i32
    %swap3A_237 = arith.index_cast %swap3A_236 : i32 to index
    %swap3A_238 = arith.constant 0 : index
    %swap3A_239 = tpu.vector_load %arg8[%swap3A_237, %swap3A_238] {strides = array<i32>} : memref<256x16xf32, #tpu.memory_space<vmem>>, vector<16xf32>,
    tpu.vector_store %arg8[%swap3A_237, %swap3A_238], %scan3A_7 {strides = array<i32>} : memref<256x16xf32, #tpu.memory_space<vmem>>, vector<16xf32>,
    %swap3A_240 = arith.constant 58 : i32
    %swap3A_241 = arith.index_cast %swap3A_240 : i32 to index
    %swap3A_242 = arith.constant 0 : index
    %swap3A_243 = tpu.vector_load %arg8[%swap3A_241, %swap3A_242] {strides = array<i32>} : memref<256x16xf32, #tpu.memory_space<vmem>>, vector<16xf32>,
    tpu.vector_store %arg8[%swap3A_241, %swap3A_242], %scan3A_7 {strides = array<i32>} : memref<256x16xf32, #tpu.memory_space<vmem>>, vector<16xf32>,
    %swap3A_244 = arith.constant 59 : i32
    %swap3A_245 = arith.index_cast %swap3A_244 : i32 to index
    %swap3A_246 = arith.constant 0 : index
    %swap3A_247 = tpu.vector_load %arg8[%swap3A_245, %swap3A_246] {strides = array<i32>} : memref<256x16xf32, #tpu.memory_space<vmem>>, vector<16xf32>,
    tpu.vector_store %arg8[%swap3A_245, %swap3A_246], %scan3A_7 {strides = array<i32>} : memref<256x16xf32, #tpu.memory_space<vmem>>, vector<16xf32>,
    %swap3A_248 = arith.constant 60 : i32
    %swap3A_249 = arith.index_cast %swap3A_248 : i32 to index
    %swap3A_250 = arith.constant 0 : index
    %swap3A_251 = tpu.vector_load %arg8[%swap3A_249, %swap3A_250] {strides = array<i32>} : memref<256x16xf32, #tpu.memory_space<vmem>>, vector<16xf32>,
    tpu.vector_store %arg8[%swap3A_249, %swap3A_250], %scan3A_7 {strides = array<i32>} : memref<256x16xf32, #tpu.memory_space<vmem>>, vector<16xf32>,
    %swap3A_252 = arith.constant 61 : i32
    %swap3A_253 = arith.index_cast %swap3A_252 : i32 to index
    %swap3A_254 = arith.constant 0 : index
    %swap3A_255 = tpu.vector_load %arg8[%swap3A_253, %swap3A_254] {strides = array<i32>} : memref<256x16xf32, #tpu.memory_space<vmem>>, vector<16xf32>,
    tpu.vector_store %arg8[%swap3A_253, %swap3A_254], %scan3A_7 {strides = array<i32>} : memref<256x16xf32, #tpu.memory_space<vmem>>, vector<16xf32>,
    %swap3A_256 = arith.constant 62 : i32
    %swap3A_257 = arith.index_cast %swap3A_256 : i32 to index
    %swap3A_258 = arith.constant 0 : index
    %swap3A_259 = tpu.vector_load %arg8[%swap3A_257, %swap3A_258] {strides = array<i32>} : memref<256x16xf32, #tpu.memory_space<vmem>>, vector<16xf32>,
    tpu.vector_store %arg8[%swap3A_257, %swap3A_258], %scan3A_7 {strides = array<i32>} : memref<256x16xf32, #tpu.memory_space<vmem>>, vector<16xf32>,
    %swap3A_260 = arith.constant 63 : i32
    %swap3A_261 = arith.index_cast %swap3A_260 : i32 to index
    %swap3A_262 = arith.constant 0 : index
    %swap3A_263 = tpu.vector_load %arg8[%swap3A_261, %swap3A_262] {strides = array<i32>} : memref<256x16xf32, #tpu.memory_space<vmem>>, vector<16xf32>,
    tpu.vector_store %arg8[%swap3A_261, %swap3A_262], %scan3A_7 {strides = array<i32>} : memref<256x16xf32, #tpu.memory_space<vmem>>, vector<16xf32>,
    %swap3A_264 = arith.constant 64 : i32
    %swap3A_265 = arith.index_cast %swap3A_264 : i32 to index
    %swap3A_266 = arith.constant 0 : index
    %swap3A_267 = tpu.vector_load %arg8[%swap3A_265, %swap3A_266] {strides = array<i32>} : memref<256x16xf32, #tpu.memory_space<vmem>>, vector<16xf32>,
    tpu.vector_store %arg8[%swap3A_265, %swap3A_266], %scan3A_7 {strides = array<i32>} : memref<256x16xf32, #tpu.memory_space<vmem>>, vector<16xf32>,
    %swap3A_268 = arith.constant 65 : i32
    %swap3A_269 = arith.index_cast %swap3A_268 : i32 to index
    %swap3A_270 = arith.constant 0 : index
    %swap3A_271 = tpu.vector_load %arg8[%swap3A_269, %swap3A_270] {strides = array<i32>} : memref<256x16xf32, #tpu.memory_space<vmem>>, vector<16xf32>,
    tpu.vector_store %arg8[%swap3A_269, %swap3A_270], %scan3A_7 {strides = array<i32>} : memref<256x16xf32, #tpu.memory_space<vmem>>, vector<16xf32>,
    %swap3A_272 = arith.constant 66 : i32
    %swap3A_273 = arith.index_cast %swap3A_272 : i32 to index
    %swap3A_274 = arith.constant 0 : index
    %swap3A_275 = tpu.vector_load %arg8[%swap3A_273, %swap3A_274] {strides = array<i32>} : memref<256x16xf32, #tpu.memory_space<vmem>>, vector<16xf32>,
    tpu.vector_store %arg8[%swap3A_273, %swap3A_274], %scan3A_7 {strides = array<i32>} : memref<256x16xf32, #tpu.memory_space<vmem>>, vector<16xf32>,
    %swap3A_276 = arith.constant 67 : i32
    %swap3A_277 = arith.index_cast %swap3A_276 : i32 to index
    %swap3A_278 = arith.constant 0 : index
    %swap3A_279 = tpu.vector_load %arg8[%swap3A_277, %swap3A_278] {strides = array<i32>} : memref<256x16xf32, #tpu.memory_space<vmem>>, vector<16xf32>,
    tpu.vector_store %arg8[%swap3A_277, %swap3A_278], %scan3A_7 {strides = array<i32>} : memref<256x16xf32, #tpu.memory_space<vmem>>, vector<16xf32>,
    %swap3A_280 = arith.constant 68 : i32
    %swap3A_281 = arith.index_cast %swap3A_280 : i32 to index
    %swap3A_282 = arith.constant 0 : index
    %swap3A_283 = tpu.vector_load %arg8[%swap3A_281, %swap3A_282] {strides = array<i32>} : memref<256x16xf32, #tpu.memory_space<vmem>>, vector<16xf32>,
    tpu.vector_store %arg8[%swap3A_281, %swap3A_282], %scan3A_7 {strides = array<i32>} : memref<256x16xf32, #tpu.memory_space<vmem>>, vector<16xf32>,
    %swap3A_284 = arith.constant 69 : i32
    %swap3A_285 = arith.index_cast %swap3A_284 : i32 to index
    %swap3A_286 = arith.constant 0 : index
    %swap3A_287 = tpu.vector_load %arg8[%swap3A_285, %swap3A_286] {strides = array<i32>} : memref<256x16xf32, #tpu.memory_space<vmem>>, vector<16xf32>,
    tpu.vector_store %arg8[%swap3A_285, %swap3A_286], %scan3A_7 {strides = array<i32>} : memref<256x16xf32, #tpu.memory_space<vmem>>, vector<16xf32>,
    %swap3A_288 = arith.constant 70 : i32
    %swap3A_289 = arith.index_cast %swap3A_288 : i32 to index
    %swap3A_290 = arith.constant 0 : index
    %swap3A_291 = tpu.vector_load %arg8[%swap3A_289, %swap3A_290] {strides = array<i32>} : memref<256x16xf32, #tpu.memory_space<vmem>>, vector<16xf32>,
    tpu.vector_store %arg8[%swap3A_289, %swap3A_290], %scan3A_7 {strides = array<i32>} : memref<256x16xf32, #tpu.memory_space<vmem>>, vector<16xf32>,
    %swap3A_292 = arith.constant 71 : i32
    %swap3A_293 = arith.index_cast %swap3A_292 : i32 to index
    %swap3A_294 = arith.constant 0 : index
    %swap3A_295 = tpu.vector_load %arg8[%swap3A_293, %swap3A_294] {strides = array<i32>} : memref<256x16xf32, #tpu.memory_space<vmem>>, vector<16xf32>,
    tpu.vector_store %arg8[%swap3A_293, %swap3A_294], %scan3A_7 {strides = array<i32>} : memref<256x16xf32, #tpu.memory_space<vmem>>, vector<16xf32>,
    %swap3A_296 = arith.constant 72 : i32
    %swap3A_297 = arith.index_cast %swap3A_296 : i32 to index
    %swap3A_298 = arith.constant 0 : index
    %swap3A_299 = tpu.vector_load %arg8[%swap3A_297, %swap3A_298] {strides = array<i32>} : memref<256x16xf32, #tpu.memory_space<vmem>>, vector<16xf32>,
    tpu.vector_store %arg8[%swap3A_297, %swap3A_298], %scan3A_7 {strides = array<i32>} : memref<256x16xf32, #tpu.memory_space<vmem>>, vector<16xf32>,
    %swap3A_300 = arith.constant 73 : i32
    %swap3A_301 = arith.index_cast %swap3A_300 : i32 to index
    %swap3A_302 = arith.constant 0 : index
    %swap3A_303 = tpu.vector_load %arg8[%swap3A_301, %swap3A_302] {strides = array<i32>} : memref<256x16xf32, #tpu.memory_space<vmem>>, vector<16xf32>,
    tpu.vector_store %arg8[%swap3A_301, %swap3A_302], %scan3A_7 {strides = array<i32>} : memref<256x16xf32, #tpu.memory_space<vmem>>, vector<16xf32>,
    %swap3A_304 = arith.constant 74 : i32
    %swap3A_305 = arith.index_cast %swap3A_304 : i32 to index
    %swap3A_306 = arith.constant 0 : index
    %swap3A_307 = tpu.vector_load %arg8[%swap3A_305, %swap3A_306] {strides = array<i32>} : memref<256x16xf32, #tpu.memory_space<vmem>>, vector<16xf32>,
    tpu.vector_store %arg8[%swap3A_305, %swap3A_306], %scan3A_7 {strides = array<i32>} : memref<256x16xf32, #tpu.memory_space<vmem>>, vector<16xf32>,
    %swap3A_308 = arith.constant 75 : i32
    %swap3A_309 = arith.index_cast %swap3A_308 : i32 to index
    %swap3A_310 = arith.constant 0 : index
    %swap3A_311 = tpu.vector_load %arg8[%swap3A_309, %swap3A_310] {strides = array<i32>} : memref<256x16xf32, #tpu.memory_space<vmem>>, vector<16xf32>,
    tpu.vector_store %arg8[%swap3A_309, %swap3A_310], %scan3A_7 {strides = array<i32>} : memref<256x16xf32, #tpu.memory_space<vmem>>, vector<16xf32>,
    %swap3A_312 = arith.constant 76 : i32
    %swap3A_313 = arith.index_cast %swap3A_312 : i32 to index
    %swap3A_314 = arith.constant 0 : index
    %swap3A_315 = tpu.vector_load %arg8[%swap3A_313, %swap3A_314] {strides = array<i32>} : memref<256x16xf32, #tpu.memory_space<vmem>>, vector<16xf32>,
    tpu.vector_store %arg8[%swap3A_313, %swap3A_314], %scan3A_7 {strides = array<i32>} : memref<256x16xf32, #tpu.memory_space<vmem>>, vector<16xf32>,
    %swap3A_316 = arith.constant 77 : i32
    %swap3A_317 = arith.index_cast %swap3A_316 : i32 to index
    %swap3A_318 = arith.constant 0 : index
    %swap3A_319 = tpu.vector_load %arg8[%swap3A_317, %swap3A_318] {strides = array<i32>} : memref<256x16xf32, #tpu.memory_space<vmem>>, vector<16xf32>,
    tpu.vector_store %arg8[%swap3A_317, %swap3A_318], %scan3A_7 {strides = array<i32>} : memref<256x16xf32, #tpu.memory_space<vmem>>, vector<16xf32>,
    %swap3A_320 = arith.constant 78 : i32
    %swap3A_321 = arith.index_cast %swap3A_320 : i32 to index
    %swap3A_322 = arith.constant 0 : index
    %swap3A_323 = tpu.vector_load %arg8[%swap3A_321, %swap3A_322] {strides = array<i32>} : memref<256x16xf32, #tpu.memory_space<vmem>>, vector<16xf32>,
    tpu.vector_store %arg8[%swap3A_321, %swap3A_322], %scan3A_7 {strides = array<i32>} : memref<256x16xf32, #tpu.memory_space<vmem>>, vector<16xf32>,
    %swap3A_324 = arith.constant 79 : i32
    %swap3A_325 = arith.index_cast %swap3A_324 : i32 to index
    %swap3A_326 = arith.constant 0 : index
    %swap3A_327 = tpu.vector_load %arg8[%swap3A_325, %swap3A_326] {strides = array<i32>} : memref<256x16xf32, #tpu.memory_space<vmem>>, vector<16xf32>,
    tpu.vector_store %arg8[%swap3A_325, %swap3A_326], %scan3A_7 {strides = array<i32>} : memref<256x16xf32, #tpu.memory_space<vmem>>, vector<16xf32>,
    %swap3A_328 = arith.constant 80 : i32
    %swap3A_329 = arith.index_cast %swap3A_328 : i32 to index
    %swap3A_330 = arith.constant 0 : index
    %swap3A_331 = tpu.vector_load %arg8[%swap3A_329, %swap3A_330] {strides = array<i32>} : memref<256x16xf32, #tpu.memory_space<vmem>>, vector<16xf32>,
    tpu.vector_store %arg8[%swap3A_329, %swap3A_330], %scan3A_7 {strides = array<i32>} : memref<256x16xf32, #tpu.memory_space<vmem>>, vector<16xf32>,
    %swap3A_332 = arith.constant 81 : i32
    %swap3A_333 = arith.index_cast %swap3A_332 : i32 to index
    %swap3A_334 = arith.constant 0 : index
    %swap3A_335 = tpu.vector_load %arg8[%swap3A_333, %swap3A_334] {strides = array<i32>} : memref<256x16xf32, #tpu.memory_space<vmem>>, vector<16xf32>,
    tpu.vector_store %arg8[%swap3A_333, %swap3A_334], %scan3A_7 {strides = array<i32>} : memref<256x16xf32, #tpu.memory_space<vmem>>, vector<16xf32>,
    %swap3A_336 = arith.constant 82 : i32
    %swap3A_337 = arith.index_cast %swap3A_336 : i32 to index
    %swap3A_338 = arith.constant 0 : index
    %swap3A_339 = tpu.vector_load %arg8[%swap3A_337, %swap3A_338] {strides = array<i32>} : memref<256x16xf32, #tpu.memory_space<vmem>>, vector<16xf32>,
    tpu.vector_store %arg8[%swap3A_337, %swap3A_338], %scan3A_7 {strides = array<i32>} : memref<256x16xf32, #tpu.memory_space<vmem>>, vector<16xf32>,
    %swap3A_340 = arith.constant 83 : i32
    %swap3A_341 = arith.index_cast %swap3A_340 : i32 to index
    %swap3A_342 = arith.constant 0 : index
    %swap3A_343 = tpu.vector_load %arg8[%swap3A_341, %swap3A_342] {strides = array<i32>} : memref<256x16xf32, #tpu.memory_space<vmem>>, vector<16xf32>,
    tpu.vector_store %arg8[%swap3A_341, %swap3A_342], %scan3A_7 {strides = array<i32>} : memref<256x16xf32, #tpu.memory_space<vmem>>, vector<16xf32>,
    %swap3A_344 = arith.constant 84 : i32
    %swap3A_345 = arith.index_cast %swap3A_344 : i32 to index
    %swap3A_346 = arith.constant 0 : index
    %swap3A_347 = tpu.vector_load %arg8[%swap3A_345, %swap3A_346] {strides = array<i32>} : memref<256x16xf32, #tpu.memory_space<vmem>>, vector<16xf32>,
    tpu.vector_store %arg8[%swap3A_345, %swap3A_346], %scan3A_7 {strides = array<i32>} : memref<256x16xf32, #tpu.memory_space<vmem>>, vector<16xf32>,
    %swap3A_348 = arith.constant 85 : i32
    %swap3A_349 = arith.index_cast %swap3A_348 : i32 to index
    %swap3A_350 = arith.constant 0 : index
    %swap3A_351 = tpu.vector_load %arg8[%swap3A_349, %swap3A_350] {strides = array<i32>} : memref<256x16xf32, #tpu.memory_space<vmem>>, vector<16xf32>,
    tpu.vector_store %arg8[%swap3A_349, %swap3A_350], %scan3A_7 {strides = array<i32>} : memref<256x16xf32, #tpu.memory_space<vmem>>, vector<16xf32>,
    %swap3A_352 = arith.constant 86 : i32
    %swap3A_353 = arith.index_cast %swap3A_352 : i32 to index
    %swap3A_354 = arith.constant 0 : index
    %swap3A_355 = tpu.vector_load %arg8[%swap3A_353, %swap3A_354] {strides = array<i32>} : memref<256x16xf32, #tpu.memory_space<vmem>>, vector<16xf32>,
    tpu.vector_store %arg8[%swap3A_353, %swap3A_354], %scan3A_7 {strides = array<i32>} : memref<256x16xf32, #tpu.memory_space<vmem>>, vector<16xf32>,
    %swap3A_356 = arith.constant 87 : i32
    %swap3A_357 = arith.index_cast %swap3A_356 : i32 to index
    %swap3A_358 = arith.constant 0 : index
    %swap3A_359 = tpu.vector_load %arg8[%swap3A_357, %swap3A_358] {strides = array<i32>} : memref<256x16xf32, #tpu.memory_space<vmem>>, vector<16xf32>,
    tpu.vector_store %arg8[%swap3A_357, %swap3A_358], %scan3A_7 {strides = array<i32>} : memref<256x16xf32, #tpu.memory_space<vmem>>, vector<16xf32>,
    %swap3A_360 = arith.constant 88 : i32
    %swap3A_361 = arith.index_cast %swap3A_360 : i32 to index
    %swap3A_362 = arith.constant 0 : index
    %swap3A_363 = tpu.vector_load %arg8[%swap3A_361, %swap3A_362] {strides = array<i32>} : memref<256x16xf32, #tpu.memory_space<vmem>>, vector<16xf32>,
    tpu.vector_store %arg8[%swap3A_361, %swap3A_362], %scan3A_7 {strides = array<i32>} : memref<256x16xf32, #tpu.memory_space<vmem>>, vector<16xf32>,
    %swap3A_364 = arith.constant 89 : i32
    %swap3A_365 = arith.index_cast %swap3A_364 : i32 to index
    %swap3A_366 = arith.constant 0 : index
    %swap3A_367 = tpu.vector_load %arg8[%swap3A_365, %swap3A_366] {strides = array<i32>} : memref<256x16xf32, #tpu.memory_space<vmem>>, vector<16xf32>,
    tpu.vector_store %arg8[%swap3A_365, %swap3A_366], %scan3A_7 {strides = array<i32>} : memref<256x16xf32, #tpu.memory_space<vmem>>, vector<16xf32>,
    %swap3A_368 = arith.constant 90 : i32
    %swap3A_369 = arith.index_cast %swap3A_368 : i32 to index
    %swap3A_370 = arith.constant 0 : index
    %swap3A_371 = tpu.vector_load %arg8[%swap3A_369, %swap3A_370] {strides = array<i32>} : memref<256x16xf32, #tpu.memory_space<vmem>>, vector<16xf32>,
    tpu.vector_store %arg8[%swap3A_369, %swap3A_370], %scan3A_7 {strides = array<i32>} : memref<256x16xf32, #tpu.memory_space<vmem>>, vector<16xf32>,
    %swap3A_372 = arith.constant 91 : i32
    %swap3A_373 = arith.index_cast %swap3A_372 : i32 to index
    %swap3A_374 = arith.constant 0 : index
    %swap3A_375 = tpu.vector_load %arg8[%swap3A_373, %swap3A_374] {strides = array<i32>} : memref<256x16xf32, #tpu.memory_space<vmem>>, vector<16xf32>,
    tpu.vector_store %arg8[%swap3A_373, %swap3A_374], %scan3A_7 {strides = array<i32>} : memref<256x16xf32, #tpu.memory_space<vmem>>, vector<16xf32>,
    %swap3A_376 = arith.constant 92 : i32
    %swap3A_377 = arith.index_cast %swap3A_376 : i32 to index
    %swap3A_378 = arith.constant 0 : index
    %swap3A_379 = tpu.vector_load %arg8[%swap3A_377, %swap3A_378] {strides = array<i32>} : memref<256x16xf32, #tpu.memory_space<vmem>>, vector<16xf32>,
    tpu.vector_store %arg8[%swap3A_377, %swap3A_378], %scan3A_7 {strides = array<i32>} : memref<256x16xf32, #tpu.memory_space<vmem>>, vector<16xf32>,
    %swap3A_380 = arith.constant 93 : i32
    %swap3A_381 = arith.index_cast %swap3A_380 : i32 to index
    %swap3A_382 = arith.constant 0 : index
    %swap3A_383 = tpu.vector_load %arg8[%swap3A_381, %swap3A_382] {strides = array<i32>} : memref<256x16xf32, #tpu.memory_space<vmem>>, vector<16xf32>,
    tpu.vector_store %arg8[%swap3A_381, %swap3A_382], %scan3A_7 {strides = array<i32>} : memref<256x16xf32, #tpu.memory_space<vmem>>, vector<16xf32>,
    %swap3A_384 = arith.constant 94 : i32
    %swap3A_385 = arith.index_cast %swap3A_384 : i32 to index
    %swap3A_386 = arith.constant 0 : index
    %swap3A_387 = tpu.vector_load %arg8[%swap3A_385, %swap3A_386] {strides = array<i32>} : memref<256x16xf32, #tpu.memory_space<vmem>>, vector<16xf32>,
    tpu.vector_store %arg8[%swap3A_385, %swap3A_386], %scan3A_7 {strides = array<i32>} : memref<256x16xf32, #tpu.memory_space<vmem>>, vector<16xf32>,
    %swap3A_388 = arith.constant 95 : i32
    %swap3A_389 = arith.index_cast %swap3A_388 : i32 to index
    %swap3A_390 = arith.constant 0 : index
    %swap3A_391 = tpu.vector_load %arg8[%swap3A_389, %swap3A_390] {strides = array<i32>} : memref<256x16xf32, #tpu.memory_space<vmem>>, vector<16xf32>,
    tpu.vector_store %arg8[%swap3A_389, %swap3A_390], %scan3A_7 {strides = array<i32>} : memref<256x16xf32, #tpu.memory_space<vmem>>, vector<16xf32>,
    %swap3A_392 = arith.constant 96 : i32
    %swap3A_393 = arith.index_cast %swap3A_392 : i32 to index
    %swap3A_394 = arith.constant 0 : index
    %swap3A_395 = tpu.vector_load %arg8[%swap3A_393, %swap3A_394] {strides = array<i32>} : memref<256x16xf32, #tpu.memory_space<vmem>>, vector<16xf32>,
    tpu.vector_store %arg8[%swap3A_393, %swap3A_394], %scan3A_7 {strides = array<i32>} : memref<256x16xf32, #tpu.memory_space<vmem>>, vector<16xf32>,
    %swap3A_396 = arith.constant 97 : i32
    %swap3A_397 = arith.index_cast %swap3A_396 : i32 to index
    %swap3A_398 = arith.constant 0 : index
    %swap3A_399 = tpu.vector_load %arg8[%swap3A_397, %swap3A_398] {strides = array<i32>} : memref<256x16xf32, #tpu.memory_space<vmem>>, vector<16xf32>,
    tpu.vector_store %arg8[%swap3A_397, %swap3A_398], %scan3A_7 {strides = array<i32>} : memref<256x16xf32, #tpu.memory_space<vmem>>, vector<16xf32>,
    %swap3A_400 = arith.constant 98 : i32
    %swap3A_401 = arith.index_cast %swap3A_400 : i32 to index
    %swap3A_402 = arith.constant 0 : index
    %swap3A_403 = tpu.vector_load %arg8[%swap3A_401, %swap3A_402] {strides = array<i32>} : memref<256x16xf32, #tpu.memory_space<vmem>>, vector<16xf32>,
    tpu.vector_store %arg8[%swap3A_401, %swap3A_402], %scan3A_7 {strides = array<i32>} : memref<256x16xf32, #tpu.memory_space<vmem>>, vector<16xf32>,
    %swap3A_404 = arith.constant 99 : i32
    %swap3A_405 = arith.index_cast %swap3A_404 : i32 to index
    %swap3A_406 = arith.constant 0 : index
    %swap3A_407 = tpu.vector_load %arg8[%swap3A_405, %swap3A_406] {strides = array<i32>} : memref<256x16xf32, #tpu.memory_space<vmem>>, vector<16xf32>,
    tpu.vector_store %arg8[%swap3A_405, %swap3A_406], %scan3A_7 {strides = array<i32>} : memref<256x16xf32, #tpu.memory_space<vmem>>, vector<16xf32>,
    %swap3A_408 = arith.constant 100 : i32
    %swap3A_409 = arith.index_cast %swap3A_408 : i32 to index
    %swap3A_410 = arith.constant 0 : index
    %swap3A_411 = tpu.vector_load %arg8[%swap3A_409, %swap3A_410] {strides = array<i32>} : memref<256x16xf32, #tpu.memory_space<vmem>>, vector<16xf32>,
    tpu.vector_store %arg8[%swap3A_409, %swap3A_410], %scan3A_7 {strides = array<i32>} : memref<256x16xf32, #tpu.memory_space<vmem>>, vector<16xf32>,
    %swap3A_412 = arith.constant 101 : i32
    %swap3A_413 = arith.index_cast %swap3A_412 : i32 to index
    %swap3A_414 = arith.constant 0 : index
    %swap3A_415 = tpu.vector_load %arg8[%swap3A_413, %swap3A_414] {strides = array<i32>} : memref<256x16xf32, #tpu.memory_space<vmem>>, vector<16xf32>,
    tpu.vector_store %arg8[%swap3A_413, %swap3A_414], %scan3A_7 {strides = array<i32>} : memref<256x16xf32, #tpu.memory_space<vmem>>, vector<16xf32>,
    %swap3A_416 = arith.constant 102 : i32
    %swap3A_417 = arith.index_cast %swap3A_416 : i32 to index
    %swap3A_418 = arith.constant 0 : index
    %swap3A_419 = tpu.vector_load %arg8[%swap3A_417, %swap3A_418] {strides = array<i32>} : memref<256x16xf32, #tpu.memory_space<vmem>>, vector<16xf32>,
    tpu.vector_store %arg8[%swap3A_417, %swap3A_418], %scan3A_7 {strides = array<i32>} : memref<256x16xf32, #tpu.memory_space<vmem>>, vector<16xf32>,
    %swap3A_420 = arith.constant 103 : i32
    %swap3A_421 = arith.index_cast %swap3A_420 : i32 to index
    %swap3A_422 = arith.constant 0 : index
    %swap3A_423 = tpu.vector_load %arg8[%swap3A_421, %swap3A_422] {strides = array<i32>} : memref<256x16xf32, #tpu.memory_space<vmem>>, vector<16xf32>,
    tpu.vector_store %arg8[%swap3A_421, %swap3A_422], %scan3A_7 {strides = array<i32>} : memref<256x16xf32, #tpu.memory_space<vmem>>, vector<16xf32>,
    %swap3A_424 = arith.constant 104 : i32
    %swap3A_425 = arith.index_cast %swap3A_424 : i32 to index
    %swap3A_426 = arith.constant 0 : index
    %swap3A_427 = tpu.vector_load %arg8[%swap3A_425, %swap3A_426] {strides = array<i32>} : memref<256x16xf32, #tpu.memory_space<vmem>>, vector<16xf32>,
    tpu.vector_store %arg8[%swap3A_425, %swap3A_426], %scan3A_7 {strides = array<i32>} : memref<256x16xf32, #tpu.memory_space<vmem>>, vector<16xf32>,
    %swap3A_428 = arith.constant 105 : i32
    %swap3A_429 = arith.index_cast %swap3A_428 : i32 to index
    %swap3A_430 = arith.constant 0 : index
    %swap3A_431 = tpu.vector_load %arg8[%swap3A_429, %swap3A_430] {strides = array<i32>} : memref<256x16xf32, #tpu.memory_space<vmem>>, vector<16xf32>,
    tpu.vector_store %arg8[%swap3A_429, %swap3A_430], %scan3A_7 {strides = array<i32>} : memref<256x16xf32, #tpu.memory_space<vmem>>, vector<16xf32>,
    %swap3A_432 = arith.constant 106 : i32
    %swap3A_433 = arith.index_cast %swap3A_432 : i32 to index
    %swap3A_434 = arith.constant 0 : index
    %swap3A_435 = tpu.vector_load %arg8[%swap3A_433, %swap3A_434] {strides = array<i32>} : memref<256x16xf32, #tpu.memory_space<vmem>>, vector<16xf32>,
    tpu.vector_store %arg8[%swap3A_433, %swap3A_434], %scan3A_7 {strides = array<i32>} : memref<256x16xf32, #tpu.memory_space<vmem>>, vector<16xf32>,
    %swap3A_436 = arith.constant 107 : i32
    %swap3A_437 = arith.index_cast %swap3A_436 : i32 to index
    %swap3A_438 = arith.constant 0 : index
    %swap3A_439 = tpu.vector_load %arg8[%swap3A_437, %swap3A_438] {strides = array<i32>} : memref<256x16xf32, #tpu.memory_space<vmem>>, vector<16xf32>,
    tpu.vector_store %arg8[%swap3A_437, %swap3A_438], %scan3A_7 {strides = array<i32>} : memref<256x16xf32, #tpu.memory_space<vmem>>, vector<16xf32>,
    %swap3A_440 = arith.constant 108 : i32
    %swap3A_441 = arith.index_cast %swap3A_440 : i32 to index
    %swap3A_442 = arith.constant 0 : index
    %swap3A_443 = tpu.vector_load %arg8[%swap3A_441, %swap3A_442] {strides = array<i32>} : memref<256x16xf32, #tpu.memory_space<vmem>>, vector<16xf32>,
    tpu.vector_store %arg8[%swap3A_441, %swap3A_442], %scan3A_7 {strides = array<i32>} : memref<256x16xf32, #tpu.memory_space<vmem>>, vector<16xf32>,
    %swap3A_444 = arith.constant 109 : i32
    %swap3A_445 = arith.index_cast %swap3A_444 : i32 to index
    %swap3A_446 = arith.constant 0 : index
    %swap3A_447 = tpu.vector_load %arg8[%swap3A_445, %swap3A_446] {strides = array<i32>} : memref<256x16xf32, #tpu.memory_space<vmem>>, vector<16xf32>,
    tpu.vector_store %arg8[%swap3A_445, %swap3A_446], %scan3A_7 {strides = array<i32>} : memref<256x16xf32, #tpu.memory_space<vmem>>, vector<16xf32>,
    %swap3A_448 = arith.constant 110 : i32
    %swap3A_449 = arith.index_cast %swap3A_448 : i32 to index
    %swap3A_450 = arith.constant 0 : index
    %swap3A_451 = tpu.vector_load %arg8[%swap3A_449, %swap3A_450] {strides = array<i32>} : memref<256x16xf32, #tpu.memory_space<vmem>>, vector<16xf32>,
    tpu.vector_store %arg8[%swap3A_449, %swap3A_450], %scan3A_7 {strides = array<i32>} : memref<256x16xf32, #tpu.memory_space<vmem>>, vector<16xf32>,
    %swap3A_452 = arith.constant 111 : i32
    %swap3A_453 = arith.index_cast %swap3A_452 : i32 to index
    %swap3A_454 = arith.constant 0 : index
    %swap3A_455 = tpu.vector_load %arg8[%swap3A_453, %swap3A_454] {strides = array<i32>} : memref<256x16xf32, #tpu.memory_space<vmem>>, vector<16xf32>,
    tpu.vector_store %arg8[%swap3A_453, %swap3A_454], %scan3A_7 {strides = array<i32>} : memref<256x16xf32, #tpu.memory_space<vmem>>, vector<16xf32>,
    %swap3A_456 = arith.constant 112 : i32
    %swap3A_457 = arith.index_cast %swap3A_456 : i32 to index
    %swap3A_458 = arith.constant 0 : index
    %swap3A_459 = tpu.vector_load %arg8[%swap3A_457, %swap3A_458] {strides = array<i32>} : memref<256x16xf32, #tpu.memory_space<vmem>>, vector<16xf32>,
    tpu.vector_store %arg8[%swap3A_457, %swap3A_458], %scan3A_7 {strides = array<i32>} : memref<256x16xf32, #tpu.memory_space<vmem>>, vector<16xf32>,
    %swap3A_460 = arith.constant 113 : i32
    %swap3A_461 = arith.index_cast %swap3A_460 : i32 to index
    %swap3A_462 = arith.constant 0 : index
    %swap3A_463 = tpu.vector_load %arg8[%swap3A_461, %swap3A_462] {strides = array<i32>} : memref<256x16xf32, #tpu.memory_space<vmem>>, vector<16xf32>,
    tpu.vector_store %arg8[%swap3A_461, %swap3A_462], %scan3A_7 {strides = array<i32>} : memref<256x16xf32, #tpu.memory_space<vmem>>, vector<16xf32>,
    %swap3A_464 = arith.constant 114 : i32
    %swap3A_465 = arith.index_cast %swap3A_464 : i32 to index
    %swap3A_466 = arith.constant 0 : index
    %swap3A_467 = tpu.vector_load %arg8[%swap3A_465, %swap3A_466] {strides = array<i32>} : memref<256x16xf32, #tpu.memory_space<vmem>>, vector<16xf32>,
    tpu.vector_store %arg8[%swap3A_465, %swap3A_466], %scan3A_7 {strides = array<i32>} : memref<256x16xf32, #tpu.memory_space<vmem>>, vector<16xf32>,
    %swap3A_468 = arith.constant 115 : i32
    %swap3A_469 = arith.index_cast %swap3A_468 : i32 to index
    %swap3A_470 = arith.constant 0 : index
    %swap3A_471 = tpu.vector_load %arg8[%swap3A_469, %swap3A_470] {strides = array<i32>} : memref<256x16xf32, #tpu.memory_space<vmem>>, vector<16xf32>,
    tpu.vector_store %arg8[%swap3A_469, %swap3A_470], %scan3A_7 {strides = array<i32>} : memref<256x16xf32, #tpu.memory_space<vmem>>, vector<16xf32>,
    %swap3A_472 = arith.constant 116 : i32
    %swap3A_473 = arith.index_cast %swap3A_472 : i32 to index
    %swap3A_474 = arith.constant 0 : index
    %swap3A_475 = tpu.vector_load %arg8[%swap3A_473, %swap3A_474] {strides = array<i32>} : memref<256x16xf32, #tpu.memory_space<vmem>>, vector<16xf32>,
    tpu.vector_store %arg8[%swap3A_473, %swap3A_474], %scan3A_7 {strides = array<i32>} : memref<256x16xf32, #tpu.memory_space<vmem>>, vector<16xf32>,
    %swap3A_476 = arith.constant 117 : i32
    %swap3A_477 = arith.index_cast %swap3A_476 : i32 to index
    %swap3A_478 = arith.constant 0 : index
    %swap3A_479 = tpu.vector_load %arg8[%swap3A_477, %swap3A_478] {strides = array<i32>} : memref<256x16xf32, #tpu.memory_space<vmem>>, vector<16xf32>,
    tpu.vector_store %arg8[%swap3A_477, %swap3A_478], %scan3A_7 {strides = array<i32>} : memref<256x16xf32, #tpu.memory_space<vmem>>, vector<16xf32>,
    %swap3A_480 = arith.constant 118 : i32
    %swap3A_481 = arith.index_cast %swap3A_480 : i32 to index
    %swap3A_482 = arith.constant 0 : index
    %swap3A_483 = tpu.vector_load %arg8[%swap3A_481, %swap3A_482] {strides = array<i32>} : memref<256x16xf32, #tpu.memory_space<vmem>>, vector<16xf32>,
    tpu.vector_store %arg8[%swap3A_481, %swap3A_482], %scan3A_7 {strides = array<i32>} : memref<256x16xf32, #tpu.memory_space<vmem>>, vector<16xf32>,
    %swap3A_484 = arith.constant 119 : i32
    %swap3A_485 = arith.index_cast %swap3A_484 : i32 to index
    %swap3A_486 = arith.constant 0 : index
    %swap3A_487 = tpu.vector_load %arg8[%swap3A_485, %swap3A_486] {strides = array<i32>} : memref<256x16xf32, #tpu.memory_space<vmem>>, vector<16xf32>,
    tpu.vector_store %arg8[%swap3A_485, %swap3A_486], %scan3A_7 {strides = array<i32>} : memref<256x16xf32, #tpu.memory_space<vmem>>, vector<16xf32>,
    %swap3A_488 = arith.constant 120 : i32
    %swap3A_489 = arith.index_cast %swap3A_488 : i32 to index
    %swap3A_490 = arith.constant 0 : index
    %swap3A_491 = tpu.vector_load %arg8[%swap3A_489, %swap3A_490] {strides = array<i32>} : memref<256x16xf32, #tpu.memory_space<vmem>>, vector<16xf32>,
    tpu.vector_store %arg8[%swap3A_489, %swap3A_490], %scan3A_7 {strides = array<i32>} : memref<256x16xf32, #tpu.memory_space<vmem>>, vector<16xf32>,
    %swap3A_492 = arith.constant 121 : i32
    %swap3A_493 = arith.index_cast %swap3A_492 : i32 to index
    %swap3A_494 = arith.constant 0 : index
    %swap3A_495 = tpu.vector_load %arg8[%swap3A_493, %swap3A_494] {strides = array<i32>} : memref<256x16xf32, #tpu.memory_space<vmem>>, vector<16xf32>,
    tpu.vector_store %arg8[%swap3A_493, %swap3A_494], %scan3A_7 {strides = array<i32>} : memref<256x16xf32, #tpu.memory_space<vmem>>, vector<16xf32>,
    %swap3A_496 = arith.constant 122 : i32
    %swap3A_497 = arith.index_cast %swap3A_496 : i32 to index
    %swap3A_498 = arith.constant 0 : index
    %swap3A_499 = tpu.vector_load %arg8[%swap3A_497, %swap3A_498] {strides = array<i32>} : memref<256x16xf32, #tpu.memory_space<vmem>>, vector<16xf32>,
    tpu.vector_store %arg8[%swap3A_497, %swap3A_498], %scan3A_7 {strides = array<i32>} : memref<256x16xf32, #tpu.memory_space<vmem>>, vector<16xf32>,
    %swap3A_500 = arith.constant 123 : i32
    %swap3A_501 = arith.index_cast %swap3A_500 : i32 to index
    %swap3A_502 = arith.constant 0 : index
    %swap3A_503 = tpu.vector_load %arg8[%swap3A_501, %swap3A_502] {strides = array<i32>} : memref<256x16xf32, #tpu.memory_space<vmem>>, vector<16xf32>,
    tpu.vector_store %arg8[%swap3A_501, %swap3A_502], %scan3A_7 {strides = array<i32>} : memref<256x16xf32, #tpu.memory_space<vmem>>, vector<16xf32>,
    %swap3A_504 = arith.constant 124 : i32
    %swap3A_505 = arith.index_cast %swap3A_504 : i32 to index
    %swap3A_506 = arith.constant 0 : index
    %swap3A_507 = tpu.vector_load %arg8[%swap3A_505, %swap3A_506] {strides = array<i32>} : memref<256x16xf32, #tpu.memory_space<vmem>>, vector<16xf32>,
    tpu.vector_store %arg8[%swap3A_505, %swap3A_506], %scan3A_7 {strides = array<i32>} : memref<256x16xf32, #tpu.memory_space<vmem>>, vector<16xf32>,
    %swap3A_508 = arith.constant 125 : i32
    %swap3A_509 = arith.index_cast %swap3A_508 : i32 to index
    %swap3A_510 = arith.constant 0 : index
    %swap3A_511 = tpu.vector_load %arg8[%swap3A_509, %swap3A_510] {strides = array<i32>} : memref<256x16xf32, #tpu.memory_space<vmem>>, vector<16xf32>,
    tpu.vector_store %arg8[%swap3A_509, %swap3A_510], %scan3A_7 {strides = array<i32>} : memref<256x16xf32, #tpu.memory_space<vmem>>, vector<16xf32>,
    %swap3A_512 = arith.constant 126 : i32
    %swap3A_513 = arith.index_cast %swap3A_512 : i32 to index
    %swap3A_514 = arith.constant 0 : index
    %swap3A_515 = tpu.vector_load %arg8[%swap3A_513, %swap3A_514] {strides = array<i32>} : memref<256x16xf32, #tpu.memory_space<vmem>>, vector<16xf32>,
    tpu.vector_store %arg8[%swap3A_513, %swap3A_514], %scan3A_7 {strides = array<i32>} : memref<256x16xf32, #tpu.memory_space<vmem>>, vector<16xf32>,
    %swap3A_516 = arith.constant 127 : i32
    %swap3A_517 = arith.index_cast %swap3A_516 : i32 to index
    %swap3A_518 = arith.constant 0 : index
    %swap3A_519 = tpu.vector_load %arg8[%swap3A_517, %swap3A_518] {strides = array<i32>} : memref<256x16xf32, #tpu.memory_space<vmem>>, vector<16xf32>,
    tpu.vector_store %arg8[%swap3A_517, %swap3A_518], %scan3A_7 {strides = array<i32>} : memref<256x16xf32, #tpu.memory_space<vmem>>, vector<16xf32>,
    %swap3A_520 = arith.constant 128 : i32
    %swap3A_521 = arith.index_cast %swap3A_520 : i32 to index
    %swap3A_522 = arith.constant 0 : index
    %swap3A_523 = tpu.vector_load %arg8[%swap3A_521, %swap3A_522] {strides = array<i32>} : memref<256x16xf32, #tpu.memory_space<vmem>>, vector<16xf32>,
    tpu.vector_store %arg8[%swap3A_521, %swap3A_522], %scan3A_7 {strides = array<i32>} : memref<256x16xf32, #tpu.memory_space<vmem>>, vector<16xf32>,
    %swap3A_524 = arith.constant 129 : i32
    %swap3A_525 = arith.index_cast %swap3A_524 : i32 to index
    %swap3A_526 = arith.constant 0 : index
    %swap3A_527 = tpu.vector_load %arg8[%swap3A_525, %swap3A_526] {strides = array<i32>} : memref<256x16xf32, #tpu.memory_space<vmem>>, vector<16xf32>,
    tpu.vector_store %arg8[%swap3A_525, %swap3A_526], %scan3A_7 {strides = array<i32>} : memref<256x16xf32, #tpu.memory_space<vmem>>, vector<16xf32>,
    %swap3A_528 = arith.constant 130 : i32
    %swap3A_529 = arith.index_cast %swap3A_528 : i32 to index
    %swap3A_530 = arith.constant 0 : index
    %swap3A_531 = tpu.vector_load %arg8[%swap3A_529, %swap3A_530] {strides = array<i32>} : memref<256x16xf32, #tpu.memory_space<vmem>>, vector<16xf32>,
    tpu.vector_store %arg8[%swap3A_529, %swap3A_530], %scan3A_7 {strides = array<i32>} : memref<256x16xf32, #tpu.memory_space<vmem>>, vector<16xf32>,
    %swap3A_532 = arith.constant 131 : i32
    %swap3A_533 = arith.index_cast %swap3A_532 : i32 to index
    %swap3A_534 = arith.constant 0 : index
    %swap3A_535 = tpu.vector_load %arg8[%swap3A_533, %swap3A_534] {strides = array<i32>} : memref<256x16xf32, #tpu.memory_space<vmem>>, vector<16xf32>,
    tpu.vector_store %arg8[%swap3A_533, %swap3A_534], %scan3A_7 {strides = array<i32>} : memref<256x16xf32, #tpu.memory_space<vmem>>, vector<16xf32>,
    %swap3A_536 = arith.constant 132 : i32
    %swap3A_537 = arith.index_cast %swap3A_536 : i32 to index
    %swap3A_538 = arith.constant 0 : index
    %swap3A_539 = tpu.vector_load %arg8[%swap3A_537, %swap3A_538] {strides = array<i32>} : memref<256x16xf32, #tpu.memory_space<vmem>>, vector<16xf32>,
    tpu.vector_store %arg8[%swap3A_537, %swap3A_538], %scan3A_7 {strides = array<i32>} : memref<256x16xf32, #tpu.memory_space<vmem>>, vector<16xf32>,
    %swap3A_540 = arith.constant 133 : i32
    %swap3A_541 = arith.index_cast %swap3A_540 : i32 to index
    %swap3A_542 = arith.constant 0 : index
    %swap3A_543 = tpu.vector_load %arg8[%swap3A_541, %swap3A_542] {strides = array<i32>} : memref<256x16xf32, #tpu.memory_space<vmem>>, vector<16xf32>,
    tpu.vector_store %arg8[%swap3A_541, %swap3A_542], %scan3A_7 {strides = array<i32>} : memref<256x16xf32, #tpu.memory_space<vmem>>, vector<16xf32>,
    %swap3A_544 = arith.constant 134 : i32
    %swap3A_545 = arith.index_cast %swap3A_544 : i32 to index
    %swap3A_546 = arith.constant 0 : index
    %swap3A_547 = tpu.vector_load %arg8[%swap3A_545, %swap3A_546] {strides = array<i32>} : memref<256x16xf32, #tpu.memory_space<vmem>>, vector<16xf32>,
    tpu.vector_store %arg8[%swap3A_545, %swap3A_546], %scan3A_7 {strides = array<i32>} : memref<256x16xf32, #tpu.memory_space<vmem>>, vector<16xf32>,
    %swap3A_548 = arith.constant 135 : i32
    %swap3A_549 = arith.index_cast %swap3A_548 : i32 to index
    %swap3A_550 = arith.constant 0 : index
    %swap3A_551 = tpu.vector_load %arg8[%swap3A_549, %swap3A_550] {strides = array<i32>} : memref<256x16xf32, #tpu.memory_space<vmem>>, vector<16xf32>,
    tpu.vector_store %arg8[%swap3A_549, %swap3A_550], %scan3A_7 {strides = array<i32>} : memref<256x16xf32, #tpu.memory_space<vmem>>, vector<16xf32>,
    %swap3A_552 = arith.constant 136 : i32
    %swap3A_553 = arith.index_cast %swap3A_552 : i32 to index
    %swap3A_554 = arith.constant 0 : index
    %swap3A_555 = tpu.vector_load %arg8[%swap3A_553, %swap3A_554] {strides = array<i32>} : memref<256x16xf32, #tpu.memory_space<vmem>>, vector<16xf32>,
    tpu.vector_store %arg8[%swap3A_553, %swap3A_554], %scan3A_7 {strides = array<i32>} : memref<256x16xf32, #tpu.memory_space<vmem>>, vector<16xf32>,
    %swap3A_556 = arith.constant 137 : i32
    %swap3A_557 = arith.index_cast %swap3A_556 : i32 to index
    %swap3A_558 = arith.constant 0 : index
    %swap3A_559 = tpu.vector_load %arg8[%swap3A_557, %swap3A_558] {strides = array<i32>} : memref<256x16xf32, #tpu.memory_space<vmem>>, vector<16xf32>,
    tpu.vector_store %arg8[%swap3A_557, %swap3A_558], %scan3A_7 {strides = array<i32>} : memref<256x16xf32, #tpu.memory_space<vmem>>, vector<16xf32>,
    %swap3A_560 = arith.constant 138 : i32
    %swap3A_561 = arith.index_cast %swap3A_560 : i32 to index
    %swap3A_562 = arith.constant 0 : index
    %swap3A_563 = tpu.vector_load %arg8[%swap3A_561, %swap3A_562] {strides = array<i32>} : memref<256x16xf32, #tpu.memory_space<vmem>>, vector<16xf32>,
    tpu.vector_store %arg8[%swap3A_561, %swap3A_562], %scan3A_7 {strides = array<i32>} : memref<256x16xf32, #tpu.memory_space<vmem>>, vector<16xf32>,
    %swap3A_564 = arith.constant 139 : i32
    %swap3A_565 = arith.index_cast %swap3A_564 : i32 to index
    %swap3A_566 = arith.constant 0 : index
    %swap3A_567 = tpu.vector_load %arg8[%swap3A_565, %swap3A_566] {strides = array<i32>} : memref<256x16xf32, #tpu.memory_space<vmem>>, vector<16xf32>,
    tpu.vector_store %arg8[%swap3A_565, %swap3A_566], %scan3A_7 {strides = array<i32>} : memref<256x16xf32, #tpu.memory_space<vmem>>, vector<16xf32>,
    %swap3A_568 = arith.constant 140 : i32
    %swap3A_569 = arith.index_cast %swap3A_568 : i32 to index
    %swap3A_570 = arith.constant 0 : index
    %swap3A_571 = tpu.vector_load %arg8[%swap3A_569, %swap3A_570] {strides = array<i32>} : memref<256x16xf32, #tpu.memory_space<vmem>>, vector<16xf32>,
    tpu.vector_store %arg8[%swap3A_569, %swap3A_570], %scan3A_7 {strides = array<i32>} : memref<256x16xf32, #tpu.memory_space<vmem>>, vector<16xf32>,
    %swap3A_572 = arith.constant 141 : i32
    %swap3A_573 = arith.index_cast %swap3A_572 : i32 to index
    %swap3A_574 = arith.constant 0 : index
    %swap3A_575 = tpu.vector_load %arg8[%swap3A_573, %swap3A_574] {strides = array<i32>} : memref<256x16xf32, #tpu.memory_space<vmem>>, vector<16xf32>,
    tpu.vector_store %arg8[%swap3A_573, %swap3A_574], %scan3A_7 {strides = array<i32>} : memref<256x16xf32, #tpu.memory_space<vmem>>, vector<16xf32>,
    %swap3A_576 = arith.constant 142 : i32
    %swap3A_577 = arith.index_cast %swap3A_576 : i32 to index
    %swap3A_578 = arith.constant 0 : index
    %swap3A_579 = tpu.vector_load %arg8[%swap3A_577, %swap3A_578] {strides = array<i32>} : memref<256x16xf32, #tpu.memory_space<vmem>>, vector<16xf32>,
    tpu.vector_store %arg8[%swap3A_577, %swap3A_578], %scan3A_7 {strides = array<i32>} : memref<256x16xf32, #tpu.memory_space<vmem>>, vector<16xf32>,
    %swap3A_580 = arith.constant 143 : i32
    %swap3A_581 = arith.index_cast %swap3A_580 : i32 to index
    %swap3A_582 = arith.constant 0 : index
    %swap3A_583 = tpu.vector_load %arg8[%swap3A_581, %swap3A_582] {strides = array<i32>} : memref<256x16xf32, #tpu.memory_space<vmem>>, vector<16xf32>,
    tpu.vector_store %arg8[%swap3A_581, %swap3A_582], %scan3A_7 {strides = array<i32>} : memref<256x16xf32, #tpu.memory_space<vmem>>, vector<16xf32>,
    %swap3A_584 = arith.constant 144 : i32
    %swap3A_585 = arith.index_cast %swap3A_584 : i32 to index
    %swap3A_586 = arith.constant 0 : index
    %swap3A_587 = tpu.vector_load %arg8[%swap3A_585, %swap3A_586] {strides = array<i32>} : memref<256x16xf32, #tpu.memory_space<vmem>>, vector<16xf32>,
    tpu.vector_store %arg8[%swap3A_585, %swap3A_586], %scan3A_7 {strides = array<i32>} : memref<256x16xf32, #tpu.memory_space<vmem>>, vector<16xf32>,
    %swap3A_588 = arith.constant 145 : i32
    %swap3A_589 = arith.index_cast %swap3A_588 : i32 to index
    %swap3A_590 = arith.constant 0 : index
    %swap3A_591 = tpu.vector_load %arg8[%swap3A_589, %swap3A_590] {strides = array<i32>} : memref<256x16xf32, #tpu.memory_space<vmem>>, vector<16xf32>,
    tpu.vector_store %arg8[%swap3A_589, %swap3A_590], %scan3A_7 {strides = array<i32>} : memref<256x16xf32, #tpu.memory_space<vmem>>, vector<16xf32>,
    %swap3A_592 = arith.constant 146 : i32
    %swap3A_593 = arith.index_cast %swap3A_592 : i32 to index
    %swap3A_594 = arith.constant 0 : index
    %swap3A_595 = tpu.vector_load %arg8[%swap3A_593, %swap3A_594] {strides = array<i32>} : memref<256x16xf32, #tpu.memory_space<vmem>>, vector<16xf32>,
    tpu.vector_store %arg8[%swap3A_593, %swap3A_594], %scan3A_7 {strides = array<i32>} : memref<256x16xf32, #tpu.memory_space<vmem>>, vector<16xf32>,
    %swap3A_596 = arith.constant 147 : i32
    %swap3A_597 = arith.index_cast %swap3A_596 : i32 to index
    %swap3A_598 = arith.constant 0 : index
    %swap3A_599 = tpu.vector_load %arg8[%swap3A_597, %swap3A_598] {strides = array<i32>} : memref<256x16xf32, #tpu.memory_space<vmem>>, vector<16xf32>,
    tpu.vector_store %arg8[%swap3A_597, %swap3A_598], %scan3A_7 {strides = array<i32>} : memref<256x16xf32, #tpu.memory_space<vmem>>, vector<16xf32>,
    %swap3A_600 = arith.constant 148 : i32
    %swap3A_601 = arith.index_cast %swap3A_600 : i32 to index
    %swap3A_602 = arith.constant 0 : index
    %swap3A_603 = tpu.vector_load %arg8[%swap3A_601, %swap3A_602] {strides = array<i32>} : memref<256x16xf32, #tpu.memory_space<vmem>>, vector<16xf32>,
    tpu.vector_store %arg8[%swap3A_601, %swap3A_602], %scan3A_7 {strides = array<i32>} : memref<256x16xf32, #tpu.memory_space<vmem>>, vector<16xf32>,
    %swap3A_604 = arith.constant 149 : i32
    %swap3A_605 = arith.index_cast %swap3A_604 : i32 to index
    %swap3A_606 = arith.constant 0 : index
    %swap3A_607 = tpu.vector_load %arg8[%swap3A_605, %swap3A_606] {strides = array<i32>} : memref<256x16xf32, #tpu.memory_space<vmem>>, vector<16xf32>,
    tpu.vector_store %arg8[%swap3A_605, %swap3A_606], %scan3A_7 {strides = array<i32>} : memref<256x16xf32, #tpu.memory_space<vmem>>, vector<16xf32>,
    %swap3A_608 = arith.constant 150 : i32
    %swap3A_609 = arith.index_cast %swap3A_608 : i32 to index
    %swap3A_610 = arith.constant 0 : index
    %swap3A_611 = tpu.vector_load %arg8[%swap3A_609, %swap3A_610] {strides = array<i32>} : memref<256x16xf32, #tpu.memory_space<vmem>>, vector<16xf32>,
    tpu.vector_store %arg8[%swap3A_609, %swap3A_610], %scan3A_7 {strides = array<i32>} : memref<256x16xf32, #tpu.memory_space<vmem>>, vector<16xf32>,
    %swap3A_612 = arith.constant 151 : i32
    %swap3A_613 = arith.index_cast %swap3A_612 : i32 to index
    %swap3A_614 = arith.constant 0 : index
    %swap3A_615 = tpu.vector_load %arg8[%swap3A_613, %swap3A_614] {strides = array<i32>} : memref<256x16xf32, #tpu.memory_space<vmem>>, vector<16xf32>,
    tpu.vector_store %arg8[%swap3A_613, %swap3A_614], %scan3A_7 {strides = array<i32>} : memref<256x16xf32, #tpu.memory_space<vmem>>, vector<16xf32>,
    %swap3A_616 = arith.constant 152 : i32
    %swap3A_617 = arith.index_cast %swap3A_616 : i32 to index
    %swap3A_618 = arith.constant 0 : index
    %swap3A_619 = tpu.vector_load %arg8[%swap3A_617, %swap3A_618] {strides = array<i32>} : memref<256x16xf32, #tpu.memory_space<vmem>>, vector<16xf32>,
    tpu.vector_store %arg8[%swap3A_617, %swap3A_618], %scan3A_7 {strides = array<i32>} : memref<256x16xf32, #tpu.memory_space<vmem>>, vector<16xf32>,
    %swap3A_620 = arith.constant 153 : i32
    %swap3A_621 = arith.index_cast %swap3A_620 : i32 to index
    %swap3A_622 = arith.constant 0 : index
    %swap3A_623 = tpu.vector_load %arg8[%swap3A_621, %swap3A_622] {strides = array<i32>} : memref<256x16xf32, #tpu.memory_space<vmem>>, vector<16xf32>,
    tpu.vector_store %arg8[%swap3A_621, %swap3A_622], %scan3A_7 {strides = array<i32>} : memref<256x16xf32, #tpu.memory_space<vmem>>, vector<16xf32>,
    %swap3A_624 = arith.constant 154 : i32
    %swap3A_625 = arith.index_cast %swap3A_624 : i32 to index
    %swap3A_626 = arith.constant 0 : index
    %swap3A_627 = tpu.vector_load %arg8[%swap3A_625, %swap3A_626] {strides = array<i32>} : memref<256x16xf32, #tpu.memory_space<vmem>>, vector<16xf32>,
    tpu.vector_store %arg8[%swap3A_625, %swap3A_626], %scan3A_7 {strides = array<i32>} : memref<256x16xf32, #tpu.memory_space<vmem>>, vector<16xf32>,
    %swap3A_628 = arith.constant 155 : i32
    %swap3A_629 = arith.index_cast %swap3A_628 : i32 to index
    %swap3A_630 = arith.constant 0 : index
    %swap3A_631 = tpu.vector_load %arg8[%swap3A_629, %swap3A_630] {strides = array<i32>} : memref<256x16xf32, #tpu.memory_space<vmem>>, vector<16xf32>,
    tpu.vector_store %arg8[%swap3A_629, %swap3A_630], %scan3A_7 {strides = array<i32>} : memref<256x16xf32, #tpu.memory_space<vmem>>, vector<16xf32>,
    %swap3A_632 = arith.constant 156 : i32
    %swap3A_633 = arith.index_cast %swap3A_632 : i32 to index
    %swap3A_634 = arith.constant 0 : index
    %swap3A_635 = tpu.vector_load %arg8[%swap3A_633, %swap3A_634] {strides = array<i32>} : memref<256x16xf32, #tpu.memory_space<vmem>>, vector<16xf32>,
    tpu.vector_store %arg8[%swap3A_633, %swap3A_634], %scan3A_7 {strides = array<i32>} : memref<256x16xf32, #tpu.memory_space<vmem>>, vector<16xf32>,
    %swap3A_636 = arith.constant 157 : i32
    %swap3A_637 = arith.index_cast %swap3A_636 : i32 to index
    %swap3A_638 = arith.constant 0 : index
    %swap3A_639 = tpu.vector_load %arg8[%swap3A_637, %swap3A_638] {strides = array<i32>} : memref<256x16xf32, #tpu.memory_space<vmem>>, vector<16xf32>,
    tpu.vector_store %arg8[%swap3A_637, %swap3A_638], %scan3A_7 {strides = array<i32>} : memref<256x16xf32, #tpu.memory_space<vmem>>, vector<16xf32>,
    %swap3A_640 = arith.constant 158 : i32
    %swap3A_641 = arith.index_cast %swap3A_640 : i32 to index
    %swap3A_642 = arith.constant 0 : index
    %swap3A_643 = tpu.vector_load %arg8[%swap3A_641, %swap3A_642] {strides = array<i32>} : memref<256x16xf32, #tpu.memory_space<vmem>>, vector<16xf32>,
    tpu.vector_store %arg8[%swap3A_641, %swap3A_642], %scan3A_7 {strides = array<i32>} : memref<256x16xf32, #tpu.memory_space<vmem>>, vector<16xf32>,
    %swap3A_644 = arith.constant 159 : i32
    %swap3A_645 = arith.index_cast %swap3A_644 : i32 to index
    %swap3A_646 = arith.constant 0 : index
    %swap3A_647 = tpu.vector_load %arg8[%swap3A_645, %swap3A_646] {strides = array<i32>} : memref<256x16xf32, #tpu.memory_space<vmem>>, vector<16xf32>,
    tpu.vector_store %arg8[%swap3A_645, %swap3A_646], %scan3A_7 {strides = array<i32>} : memref<256x16xf32, #tpu.memory_space<vmem>>, vector<16xf32>,
    %swap3A_648 = arith.constant 160 : i32
    %swap3A_649 = arith.index_cast %swap3A_648 : i32 to index
    %swap3A_650 = arith.constant 0 : index
    %swap3A_651 = tpu.vector_load %arg8[%swap3A_649, %swap3A_650] {strides = array<i32>} : memref<256x16xf32, #tpu.memory_space<vmem>>, vector<16xf32>,
    tpu.vector_store %arg8[%swap3A_649, %swap3A_650], %scan3A_7 {strides = array<i32>} : memref<256x16xf32, #tpu.memory_space<vmem>>, vector<16xf32>,
    %swap3A_652 = arith.constant 161 : i32
    %swap3A_653 = arith.index_cast %swap3A_652 : i32 to index
    %swap3A_654 = arith.constant 0 : index
    %swap3A_655 = tpu.vector_load %arg8[%swap3A_653, %swap3A_654] {strides = array<i32>} : memref<256x16xf32, #tpu.memory_space<vmem>>, vector<16xf32>,
    tpu.vector_store %arg8[%swap3A_653, %swap3A_654], %scan3A_7 {strides = array<i32>} : memref<256x16xf32, #tpu.memory_space<vmem>>, vector<16xf32>,
    %swap3A_656 = arith.constant 162 : i32
    %swap3A_657 = arith.index_cast %swap3A_656 : i32 to index
    %swap3A_658 = arith.constant 0 : index
    %swap3A_659 = tpu.vector_load %arg8[%swap3A_657, %swap3A_658] {strides = array<i32>} : memref<256x16xf32, #tpu.memory_space<vmem>>, vector<16xf32>,
    tpu.vector_store %arg8[%swap3A_657, %swap3A_658], %scan3A_7 {strides = array<i32>} : memref<256x16xf32, #tpu.memory_space<vmem>>, vector<16xf32>,
    %swap3A_660 = arith.constant 163 : i32
    %swap3A_661 = arith.index_cast %swap3A_660 : i32 to index
    %swap3A_662 = arith.constant 0 : index
    %swap3A_663 = tpu.vector_load %arg8[%swap3A_661, %swap3A_662] {strides = array<i32>} : memref<256x16xf32, #tpu.memory_space<vmem>>, vector<16xf32>,
    tpu.vector_store %arg8[%swap3A_661, %swap3A_662], %scan3A_7 {strides = array<i32>} : memref<256x16xf32, #tpu.memory_space<vmem>>, vector<16xf32>,
    %swap3A_664 = arith.constant 164 : i32
    %swap3A_665 = arith.index_cast %swap3A_664 : i32 to index
    %swap3A_666 = arith.constant 0 : index
    %swap3A_667 = tpu.vector_load %arg8[%swap3A_665, %swap3A_666] {strides = array<i32>} : memref<256x16xf32, #tpu.memory_space<vmem>>, vector<16xf32>,
    tpu.vector_store %arg8[%swap3A_665, %swap3A_666], %scan3A_7 {strides = array<i32>} : memref<256x16xf32, #tpu.memory_space<vmem>>, vector<16xf32>,
    %swap3A_668 = arith.constant 165 : i32
    %swap3A_669 = arith.index_cast %swap3A_668 : i32 to index
    %swap3A_670 = arith.constant 0 : index
    %swap3A_671 = tpu.vector_load %arg8[%swap3A_669, %swap3A_670] {strides = array<i32>} : memref<256x16xf32, #tpu.memory_space<vmem>>, vector<16xf32>,
    tpu.vector_store %arg8[%swap3A_669, %swap3A_670], %scan3A_7 {strides = array<i32>} : memref<256x16xf32, #tpu.memory_space<vmem>>, vector<16xf32>,
    %swap3A_672 = arith.constant 166 : i32
    %swap3A_673 = arith.index_cast %swap3A_672 : i32 to index
    %swap3A_674 = arith.constant 0 : index
    %swap3A_675 = tpu.vector_load %arg8[%swap3A_673, %swap3A_674] {strides = array<i32>} : memref<256x16xf32, #tpu.memory_space<vmem>>, vector<16xf32>,
    tpu.vector_store %arg8[%swap3A_673, %swap3A_674], %scan3A_7 {strides = array<i32>} : memref<256x16xf32, #tpu.memory_space<vmem>>, vector<16xf32>,
    %swap3A_676 = arith.constant 167 : i32
    %swap3A_677 = arith.index_cast %swap3A_676 : i32 to index
    %swap3A_678 = arith.constant 0 : index
    %swap3A_679 = tpu.vector_load %arg8[%swap3A_677, %swap3A_678] {strides = array<i32>} : memref<256x16xf32, #tpu.memory_space<vmem>>, vector<16xf32>,
    tpu.vector_store %arg8[%swap3A_677, %swap3A_678], %scan3A_7 {strides = array<i32>} : memref<256x16xf32, #tpu.memory_space<vmem>>, vector<16xf32>,
    %swap3A_680 = arith.constant 168 : i32
    %swap3A_681 = arith.index_cast %swap3A_680 : i32 to index
    %swap3A_682 = arith.constant 0 : index
    %swap3A_683 = tpu.vector_load %arg8[%swap3A_681, %swap3A_682] {strides = array<i32>} : memref<256x16xf32, #tpu.memory_space<vmem>>, vector<16xf32>,
    tpu.vector_store %arg8[%swap3A_681, %swap3A_682], %scan3A_7 {strides = array<i32>} : memref<256x16xf32, #tpu.memory_space<vmem>>, vector<16xf32>,
    %swap3A_684 = arith.constant 169 : i32
    %swap3A_685 = arith.index_cast %swap3A_684 : i32 to index
    %swap3A_686 = arith.constant 0 : index
    %swap3A_687 = tpu.vector_load %arg8[%swap3A_685, %swap3A_686] {strides = array<i32>} : memref<256x16xf32, #tpu.memory_space<vmem>>, vector<16xf32>,
    tpu.vector_store %arg8[%swap3A_685, %swap3A_686], %scan3A_7 {strides = array<i32>} : memref<256x16xf32, #tpu.memory_space<vmem>>, vector<16xf32>,
    %swap3A_688 = arith.constant 170 : i32
    %swap3A_689 = arith.index_cast %swap3A_688 : i32 to index
    %swap3A_690 = arith.constant 0 : index
    %swap3A_691 = tpu.vector_load %arg8[%swap3A_689, %swap3A_690] {strides = array<i32>} : memref<256x16xf32, #tpu.memory_space<vmem>>, vector<16xf32>,
    tpu.vector_store %arg8[%swap3A_689, %swap3A_690], %scan3A_7 {strides = array<i32>} : memref<256x16xf32, #tpu.memory_space<vmem>>, vector<16xf32>,
    %swap3A_692 = arith.constant 171 : i32
    %swap3A_693 = arith.index_cast %swap3A_692 : i32 to index
    %swap3A_694 = arith.constant 0 : index
    %swap3A_695 = tpu.vector_load %arg8[%swap3A_693, %swap3A_694] {strides = array<i32>} : memref<256x16xf32, #tpu.memory_space<vmem>>, vector<16xf32>,
    tpu.vector_store %arg8[%swap3A_693, %swap3A_694], %scan3A_7 {strides = array<i32>} : memref<256x16xf32, #tpu.memory_space<vmem>>, vector<16xf32>,
    %swap3A_696 = arith.constant 172 : i32
    %swap3A_697 = arith.index_cast %swap3A_696 : i32 to index
    %swap3A_698 = arith.constant 0 : index
    %swap3A_699 = tpu.vector_load %arg8[%swap3A_697, %swap3A_698] {strides = array<i32>} : memref<256x16xf32, #tpu.memory_space<vmem>>, vector<16xf32>,
    tpu.vector_store %arg8[%swap3A_697, %swap3A_698], %scan3A_7 {strides = array<i32>} : memref<256x16xf32, #tpu.memory_space<vmem>>, vector<16xf32>,
    %swap3A_700 = arith.constant 173 : i32
    %swap3A_701 = arith.index_cast %swap3A_700 : i32 to index
    %swap3A_702 = arith.constant 0 : index
    %swap3A_703 = tpu.vector_load %arg8[%swap3A_701, %swap3A_702] {strides = array<i32>} : memref<256x16xf32, #tpu.memory_space<vmem>>, vector<16xf32>,
    tpu.vector_store %arg8[%swap3A_701, %swap3A_702], %scan3A_7 {strides = array<i32>} : memref<256x16xf32, #tpu.memory_space<vmem>>, vector<16xf32>,
    %swap3A_704 = arith.constant 174 : i32
    %swap3A_705 = arith.index_cast %swap3A_704 : i32 to index
    %swap3A_706 = arith.constant 0 : index
    %swap3A_707 = tpu.vector_load %arg8[%swap3A_705, %swap3A_706] {strides = array<i32>} : memref<256x16xf32, #tpu.memory_space<vmem>>, vector<16xf32>,
    tpu.vector_store %arg8[%swap3A_705, %swap3A_706], %scan3A_7 {strides = array<i32>} : memref<256x16xf32, #tpu.memory_space<vmem>>, vector<16xf32>,
    %swap3A_708 = arith.constant 175 : i32
    %swap3A_709 = arith.index_cast %swap3A_708 : i32 to index
    %swap3A_710 = arith.constant 0 : index
    %swap3A_711 = tpu.vector_load %arg8[%swap3A_709, %swap3A_710] {strides = array<i32>} : memref<256x16xf32, #tpu.memory_space<vmem>>, vector<16xf32>,
    tpu.vector_store %arg8[%swap3A_709, %swap3A_710], %scan3A_7 {strides = array<i32>} : memref<256x16xf32, #tpu.memory_space<vmem>>, vector<16xf32>,
    %swap3A_712 = arith.constant 176 : i32
    %swap3A_713 = arith.index_cast %swap3A_712 : i32 to index
    %swap3A_714 = arith.constant 0 : index
    %swap3A_715 = tpu.vector_load %arg8[%swap3A_713, %swap3A_714] {strides = array<i32>} : memref<256x16xf32, #tpu.memory_space<vmem>>, vector<16xf32>,
    tpu.vector_store %arg8[%swap3A_713, %swap3A_714], %scan3A_7 {strides = array<i32>} : memref<256x16xf32, #tpu.memory_space<vmem>>, vector<16xf32>,
    %swap3A_716 = arith.constant 177 : i32
    %swap3A_717 = arith.index_cast %swap3A_716 : i32 to index
    %swap3A_718 = arith.constant 0 : index
    %swap3A_719 = tpu.vector_load %arg8[%swap3A_717, %swap3A_718] {strides = array<i32>} : memref<256x16xf32, #tpu.memory_space<vmem>>, vector<16xf32>,
    tpu.vector_store %arg8[%swap3A_717, %swap3A_718], %scan3A_7 {strides = array<i32>} : memref<256x16xf32, #tpu.memory_space<vmem>>, vector<16xf32>,
    %swap3A_720 = arith.constant 178 : i32
    %swap3A_721 = arith.index_cast %swap3A_720 : i32 to index
    %swap3A_722 = arith.constant 0 : index
    %swap3A_723 = tpu.vector_load %arg8[%swap3A_721, %swap3A_722] {strides = array<i32>} : memref<256x16xf32, #tpu.memory_space<vmem>>, vector<16xf32>,
    tpu.vector_store %arg8[%swap3A_721, %swap3A_722], %scan3A_7 {strides = array<i32>} : memref<256x16xf32, #tpu.memory_space<vmem>>, vector<16xf32>,
    %swap3A_724 = arith.constant 179 : i32
    %swap3A_725 = arith.index_cast %swap3A_724 : i32 to index
    %swap3A_726 = arith.constant 0 : index
    %swap3A_727 = tpu.vector_load %arg8[%swap3A_725, %swap3A_726] {strides = array<i32>} : memref<256x16xf32, #tpu.memory_space<vmem>>, vector<16xf32>,
    tpu.vector_store %arg8[%swap3A_725, %swap3A_726], %scan3A_7 {strides = array<i32>} : memref<256x16xf32, #tpu.memory_space<vmem>>, vector<16xf32>,
    %swap3A_728 = arith.constant 180 : i32
    %swap3A_729 = arith.index_cast %swap3A_728 : i32 to index
    %swap3A_730 = arith.constant 0 : index
    %swap3A_731 = tpu.vector_load %arg8[%swap3A_729, %swap3A_730] {strides = array<i32>} : memref<256x16xf32, #tpu.memory_space<vmem>>, vector<16xf32>,
    tpu.vector_store %arg8[%swap3A_729, %swap3A_730], %scan3A_7 {strides = array<i32>} : memref<256x16xf32, #tpu.memory_space<vmem>>, vector<16xf32>,
    %swap3A_732 = arith.constant 181 : i32
    %swap3A_733 = arith.index_cast %swap3A_732 : i32 to index
    %swap3A_734 = arith.constant 0 : index
    %swap3A_735 = tpu.vector_load %arg8[%swap3A_733, %swap3A_734] {strides = array<i32>} : memref<256x16xf32, #tpu.memory_space<vmem>>, vector<16xf32>,
    tpu.vector_store %arg8[%swap3A_733, %swap3A_734], %scan3A_7 {strides = array<i32>} : memref<256x16xf32, #tpu.memory_space<vmem>>, vector<16xf32>,
    %swap3A_736 = arith.constant 182 : i32
    %swap3A_737 = arith.index_cast %swap3A_736 : i32 to index
    %swap3A_738 = arith.constant 0 : index
    %swap3A_739 = tpu.vector_load %arg8[%swap3A_737, %swap3A_738] {strides = array<i32>} : memref<256x16xf32, #tpu.memory_space<vmem>>, vector<16xf32>,
    tpu.vector_store %arg8[%swap3A_737, %swap3A_738], %scan3A_7 {strides = array<i32>} : memref<256x16xf32, #tpu.memory_space<vmem>>, vector<16xf32>,
    %swap3A_740 = arith.constant 183 : i32
    %swap3A_741 = arith.index_cast %swap3A_740 : i32 to index
    %swap3A_742 = arith.constant 0 : index
    %swap3A_743 = tpu.vector_load %arg8[%swap3A_741, %swap3A_742] {strides = array<i32>} : memref<256x16xf32, #tpu.memory_space<vmem>>, vector<16xf32>,
    tpu.vector_store %arg8[%swap3A_741, %swap3A_742], %scan3A_7 {strides = array<i32>} : memref<256x16xf32, #tpu.memory_space<vmem>>, vector<16xf32>,
    %swap3A_744 = arith.constant 184 : i32
    %swap3A_745 = arith.index_cast %swap3A_744 : i32 to index
    %swap3A_746 = arith.constant 0 : index
    %swap3A_747 = tpu.vector_load %arg8[%swap3A_745, %swap3A_746] {strides = array<i32>} : memref<256x16xf32, #tpu.memory_space<vmem>>, vector<16xf32>,
    tpu.vector_store %arg8[%swap3A_745, %swap3A_746], %scan3A_7 {strides = array<i32>} : memref<256x16xf32, #tpu.memory_space<vmem>>, vector<16xf32>,
    %swap3A_748 = arith.constant 185 : i32
    %swap3A_749 = arith.index_cast %swap3A_748 : i32 to index
    %swap3A_750 = arith.constant 0 : index
    %swap3A_751 = tpu.vector_load %arg8[%swap3A_749, %swap3A_750] {strides = array<i32>} : memref<256x16xf32, #tpu.memory_space<vmem>>, vector<16xf32>,
    tpu.vector_store %arg8[%swap3A_749, %swap3A_750], %scan3A_7 {strides = array<i32>} : memref<256x16xf32, #tpu.memory_space<vmem>>, vector<16xf32>,
    %swap3A_752 = arith.constant 186 : i32
    %swap3A_753 = arith.index_cast %swap3A_752 : i32 to index
    %swap3A_754 = arith.constant 0 : index
    %swap3A_755 = tpu.vector_load %arg8[%swap3A_753, %swap3A_754] {strides = array<i32>} : memref<256x16xf32, #tpu.memory_space<vmem>>, vector<16xf32>,
    tpu.vector_store %arg8[%swap3A_753, %swap3A_754], %scan3A_7 {strides = array<i32>} : memref<256x16xf32, #tpu.memory_space<vmem>>, vector<16xf32>,
    %swap3A_756 = arith.constant 187 : i32
    %swap3A_757 = arith.index_cast %swap3A_756 : i32 to index
    %swap3A_758 = arith.constant 0 : index
    %swap3A_759 = tpu.vector_load %arg8[%swap3A_757, %swap3A_758] {strides = array<i32>} : memref<256x16xf32, #tpu.memory_space<vmem>>, vector<16xf32>,
    tpu.vector_store %arg8[%swap3A_757, %swap3A_758], %scan3A_7 {strides = array<i32>} : memref<256x16xf32, #tpu.memory_space<vmem>>, vector<16xf32>,
    %swap3A_760 = arith.constant 188 : i32
    %swap3A_761 = arith.index_cast %swap3A_760 : i32 to index
    %swap3A_762 = arith.constant 0 : index
    %swap3A_763 = tpu.vector_load %arg8[%swap3A_761, %swap3A_762] {strides = array<i32>} : memref<256x16xf32, #tpu.memory_space<vmem>>, vector<16xf32>,
    tpu.vector_store %arg8[%swap3A_761, %swap3A_762], %scan3A_7 {strides = array<i32>} : memref<256x16xf32, #tpu.memory_space<vmem>>, vector<16xf32>,
    %swap3A_764 = arith.constant 189 : i32
    %swap3A_765 = arith.index_cast %swap3A_764 : i32 to index
    %swap3A_766 = arith.constant 0 : index
    %swap3A_767 = tpu.vector_load %arg8[%swap3A_765, %swap3A_766] {strides = array<i32>} : memref<256x16xf32, #tpu.memory_space<vmem>>, vector<16xf32>,
    tpu.vector_store %arg8[%swap3A_765, %swap3A_766], %scan3A_7 {strides = array<i32>} : memref<256x16xf32, #tpu.memory_space<vmem>>, vector<16xf32>,
    %swap3A_768 = arith.constant 190 : i32
    %swap3A_769 = arith.index_cast %swap3A_768 : i32 to index
    %swap3A_770 = arith.constant 0 : index
    %swap3A_771 = tpu.vector_load %arg8[%swap3A_769, %swap3A_770] {strides = array<i32>} : memref<256x16xf32, #tpu.memory_space<vmem>>, vector<16xf32>,
    tpu.vector_store %arg8[%swap3A_769, %swap3A_770], %scan3A_7 {strides = array<i32>} : memref<256x16xf32, #tpu.memory_space<vmem>>, vector<16xf32>,
    %swap3A_772 = arith.constant 191 : i32
    %swap3A_773 = arith.index_cast %swap3A_772 : i32 to index
    %swap3A_774 = arith.constant 0 : index
    %swap3A_775 = tpu.vector_load %arg8[%swap3A_773, %swap3A_774] {strides = array<i32>} : memref<256x16xf32, #tpu.memory_space<vmem>>, vector<16xf32>,
    tpu.vector_store %arg8[%swap3A_773, %swap3A_774], %scan3A_7 {strides = array<i32>} : memref<256x16xf32, #tpu.memory_space<vmem>>, vector<16xf32>,
    %swap3A_776 = arith.constant 192 : i32
    %swap3A_777 = arith.index_cast %swap3A_776 : i32 to index
    %swap3A_778 = arith.constant 0 : index
    %swap3A_779 = tpu.vector_load %arg8[%swap3A_777, %swap3A_778] {strides = array<i32>} : memref<256x16xf32, #tpu.memory_space<vmem>>, vector<16xf32>,
    tpu.vector_store %arg8[%swap3A_777, %swap3A_778], %scan3A_7 {strides = array<i32>} : memref<256x16xf32, #tpu.memory_space<vmem>>, vector<16xf32>,
    %swap3A_780 = arith.constant 193 : i32
    %swap3A_781 = arith.index_cast %swap3A_780 : i32 to index
    %swap3A_782 = arith.constant 0 : index
    %swap3A_783 = tpu.vector_load %arg8[%swap3A_781, %swap3A_782] {strides = array<i32>} : memref<256x16xf32, #tpu.memory_space<vmem>>, vector<16xf32>,
    tpu.vector_store %arg8[%swap3A_781, %swap3A_782], %scan3A_7 {strides = array<i32>} : memref<256x16xf32, #tpu.memory_space<vmem>>, vector<16xf32>,
    %swap3A_784 = arith.constant 194 : i32
    %swap3A_785 = arith.index_cast %swap3A_784 : i32 to index
    %swap3A_786 = arith.constant 0 : index
    %swap3A_787 = tpu.vector_load %arg8[%swap3A_785, %swap3A_786] {strides = array<i32>} : memref<256x16xf32, #tpu.memory_space<vmem>>, vector<16xf32>,
    tpu.vector_store %arg8[%swap3A_785, %swap3A_786], %scan3A_7 {strides = array<i32>} : memref<256x16xf32, #tpu.memory_space<vmem>>, vector<16xf32>,
    %swap3A_788 = arith.constant 195 : i32
    %swap3A_789 = arith.index_cast %swap3A_788 : i32 to index
    %swap3A_790 = arith.constant 0 : index
    %swap3A_791 = tpu.vector_load %arg8[%swap3A_789, %swap3A_790] {strides = array<i32>} : memref<256x16xf32, #tpu.memory_space<vmem>>, vector<16xf32>,
    tpu.vector_store %arg8[%swap3A_789, %swap3A_790], %scan3A_7 {strides = array<i32>} : memref<256x16xf32, #tpu.memory_space<vmem>>, vector<16xf32>,
    %swap3A_792 = arith.constant 196 : i32
    %swap3A_793 = arith.index_cast %swap3A_792 : i32 to index
    %swap3A_794 = arith.constant 0 : index
    %swap3A_795 = tpu.vector_load %arg8[%swap3A_793, %swap3A_794] {strides = array<i32>} : memref<256x16xf32, #tpu.memory_space<vmem>>, vector<16xf32>,
    tpu.vector_store %arg8[%swap3A_793, %swap3A_794], %scan3A_7 {strides = array<i32>} : memref<256x16xf32, #tpu.memory_space<vmem>>, vector<16xf32>,
    %swap3A_796 = arith.constant 197 : i32
    %swap3A_797 = arith.index_cast %swap3A_796 : i32 to index
    %swap3A_798 = arith.constant 0 : index
    %swap3A_799 = tpu.vector_load %arg8[%swap3A_797, %swap3A_798] {strides = array<i32>} : memref<256x16xf32, #tpu.memory_space<vmem>>, vector<16xf32>,
    tpu.vector_store %arg8[%swap3A_797, %swap3A_798], %scan3A_7 {strides = array<i32>} : memref<256x16xf32, #tpu.memory_space<vmem>>, vector<16xf32>,
    %swap3A_800 = arith.constant 198 : i32
    %swap3A_801 = arith.index_cast %swap3A_800 : i32 to index
    %swap3A_802 = arith.constant 0 : index
    %swap3A_803 = tpu.vector_load %arg8[%swap3A_801, %swap3A_802] {strides = array<i32>} : memref<256x16xf32, #tpu.memory_space<vmem>>, vector<16xf32>,
    tpu.vector_store %arg8[%swap3A_801, %swap3A_802], %scan3A_7 {strides = array<i32>} : memref<256x16xf32, #tpu.memory_space<vmem>>, vector<16xf32>,
    %swap3A_804 = arith.constant 199 : i32
    %swap3A_805 = arith.index_cast %swap3A_804 : i32 to index
    %swap3A_806 = arith.constant 0 : index
    %swap3A_807 = tpu.vector_load %arg8[%swap3A_805, %swap3A_806] {strides = array<i32>} : memref<256x16xf32, #tpu.memory_space<vmem>>, vector<16xf32>,
    tpu.vector_store %arg8[%swap3A_805, %swap3A_806], %scan3A_7 {strides = array<i32>} : memref<256x16xf32, #tpu.memory_space<vmem>>, vector<16xf32>,
    %swap3A_808 = arith.constant 200 : i32
    %swap3A_809 = arith.index_cast %swap3A_808 : i32 to index
    %swap3A_810 = arith.constant 0 : index
    %swap3A_811 = tpu.vector_load %arg8[%swap3A_809, %swap3A_810] {strides = array<i32>} : memref<256x16xf32, #tpu.memory_space<vmem>>, vector<16xf32>,
    tpu.vector_store %arg8[%swap3A_809, %swap3A_810], %scan3A_7 {strides = array<i32>} : memref<256x16xf32, #tpu.memory_space<vmem>>, vector<16xf32>,
    %swap3A_812 = arith.constant 201 : i32
    %swap3A_813 = arith.index_cast %swap3A_812 : i32 to index
    %swap3A_814 = arith.constant 0 : index
    %swap3A_815 = tpu.vector_load %arg8[%swap3A_813, %swap3A_814] {strides = array<i32>} : memref<256x16xf32, #tpu.memory_space<vmem>>, vector<16xf32>,
    tpu.vector_store %arg8[%swap3A_813, %swap3A_814], %scan3A_7 {strides = array<i32>} : memref<256x16xf32, #tpu.memory_space<vmem>>, vector<16xf32>,
    %swap3A_816 = arith.constant 202 : i32
    %swap3A_817 = arith.index_cast %swap3A_816 : i32 to index
    %swap3A_818 = arith.constant 0 : index
    %swap3A_819 = tpu.vector_load %arg8[%swap3A_817, %swap3A_818] {strides = array<i32>} : memref<256x16xf32, #tpu.memory_space<vmem>>, vector<16xf32>,
    tpu.vector_store %arg8[%swap3A_817, %swap3A_818], %scan3A_7 {strides = array<i32>} : memref<256x16xf32, #tpu.memory_space<vmem>>, vector<16xf32>,
    %swap3A_820 = arith.constant 203 : i32
    %swap3A_821 = arith.index_cast %swap3A_820 : i32 to index
    %swap3A_822 = arith.constant 0 : index
    %swap3A_823 = tpu.vector_load %arg8[%swap3A_821, %swap3A_822] {strides = array<i32>} : memref<256x16xf32, #tpu.memory_space<vmem>>, vector<16xf32>,
    tpu.vector_store %arg8[%swap3A_821, %swap3A_822], %scan3A_7 {strides = array<i32>} : memref<256x16xf32, #tpu.memory_space<vmem>>, vector<16xf32>,
    %swap3A_824 = arith.constant 204 : i32
    %swap3A_825 = arith.index_cast %swap3A_824 : i32 to index
    %swap3A_826 = arith.constant 0 : index
    %swap3A_827 = tpu.vector_load %arg8[%swap3A_825, %swap3A_826] {strides = array<i32>} : memref<256x16xf32, #tpu.memory_space<vmem>>, vector<16xf32>,
    tpu.vector_store %arg8[%swap3A_825, %swap3A_826], %scan3A_7 {strides = array<i32>} : memref<256x16xf32, #tpu.memory_space<vmem>>, vector<16xf32>,
    %swap3A_828 = arith.constant 205 : i32
    %swap3A_829 = arith.index_cast %swap3A_828 : i32 to index
    %swap3A_830 = arith.constant 0 : index
    %swap3A_831 = tpu.vector_load %arg8[%swap3A_829, %swap3A_830] {strides = array<i32>} : memref<256x16xf32, #tpu.memory_space<vmem>>, vector<16xf32>,
    tpu.vector_store %arg8[%swap3A_829, %swap3A_830], %scan3A_7 {strides = array<i32>} : memref<256x16xf32, #tpu.memory_space<vmem>>, vector<16xf32>,
    %swap3A_832 = arith.constant 206 : i32
    %swap3A_833 = arith.index_cast %swap3A_832 : i32 to index
    %swap3A_834 = arith.constant 0 : index
    %swap3A_835 = tpu.vector_load %arg8[%swap3A_833, %swap3A_834] {strides = array<i32>} : memref<256x16xf32, #tpu.memory_space<vmem>>, vector<16xf32>,
    tpu.vector_store %arg8[%swap3A_833, %swap3A_834], %scan3A_7 {strides = array<i32>} : memref<256x16xf32, #tpu.memory_space<vmem>>, vector<16xf32>,
    %swap3A_836 = arith.constant 207 : i32
    %swap3A_837 = arith.index_cast %swap3A_836 : i32 to index
    %swap3A_838 = arith.constant 0 : index
    %swap3A_839 = tpu.vector_load %arg8[%swap3A_837, %swap3A_838] {strides = array<i32>} : memref<256x16xf32, #tpu.memory_space<vmem>>, vector<16xf32>,
    tpu.vector_store %arg8[%swap3A_837, %swap3A_838], %scan3A_7 {strides = array<i32>} : memref<256x16xf32, #tpu.memory_space<vmem>>, vector<16xf32>,
    %swap3A_840 = arith.constant 208 : i32
    %swap3A_841 = arith.index_cast %swap3A_840 : i32 to index
    %swap3A_842 = arith.constant 0 : index
    %swap3A_843 = tpu.vector_load %arg8[%swap3A_841, %swap3A_842] {strides = array<i32>} : memref<256x16xf32, #tpu.memory_space<vmem>>, vector<16xf32>,
    tpu.vector_store %arg8[%swap3A_841, %swap3A_842], %scan3A_7 {strides = array<i32>} : memref<256x16xf32, #tpu.memory_space<vmem>>, vector<16xf32>,
    %swap3A_844 = arith.constant 209 : i32
    %swap3A_845 = arith.index_cast %swap3A_844 : i32 to index
    %swap3A_846 = arith.constant 0 : index
    %swap3A_847 = tpu.vector_load %arg8[%swap3A_845, %swap3A_846] {strides = array<i32>} : memref<256x16xf32, #tpu.memory_space<vmem>>, vector<16xf32>,
    tpu.vector_store %arg8[%swap3A_845, %swap3A_846], %scan3A_7 {strides = array<i32>} : memref<256x16xf32, #tpu.memory_space<vmem>>, vector<16xf32>,
    %swap3A_848 = arith.constant 210 : i32
    %swap3A_849 = arith.index_cast %swap3A_848 : i32 to index
    %swap3A_850 = arith.constant 0 : index
    %swap3A_851 = tpu.vector_load %arg8[%swap3A_849, %swap3A_850] {strides = array<i32>} : memref<256x16xf32, #tpu.memory_space<vmem>>, vector<16xf32>,
    tpu.vector_store %arg8[%swap3A_849, %swap3A_850], %scan3A_7 {strides = array<i32>} : memref<256x16xf32, #tpu.memory_space<vmem>>, vector<16xf32>,
    %swap3A_852 = arith.constant 211 : i32
    %swap3A_853 = arith.index_cast %swap3A_852 : i32 to index
    %swap3A_854 = arith.constant 0 : index
    %swap3A_855 = tpu.vector_load %arg8[%swap3A_853, %swap3A_854] {strides = array<i32>} : memref<256x16xf32, #tpu.memory_space<vmem>>, vector<16xf32>,
    tpu.vector_store %arg8[%swap3A_853, %swap3A_854], %scan3A_7 {strides = array<i32>} : memref<256x16xf32, #tpu.memory_space<vmem>>, vector<16xf32>,
    %swap3A_856 = arith.constant 212 : i32
    %swap3A_857 = arith.index_cast %swap3A_856 : i32 to index
    %swap3A_858 = arith.constant 0 : index
    %swap3A_859 = tpu.vector_load %arg8[%swap3A_857, %swap3A_858] {strides = array<i32>} : memref<256x16xf32, #tpu.memory_space<vmem>>, vector<16xf32>,
    tpu.vector_store %arg8[%swap3A_857, %swap3A_858], %scan3A_7 {strides = array<i32>} : memref<256x16xf32, #tpu.memory_space<vmem>>, vector<16xf32>,
    %swap3A_860 = arith.constant 213 : i32
    %swap3A_861 = arith.index_cast %swap3A_860 : i32 to index
    %swap3A_862 = arith.constant 0 : index
    %swap3A_863 = tpu.vector_load %arg8[%swap3A_861, %swap3A_862] {strides = array<i32>} : memref<256x16xf32, #tpu.memory_space<vmem>>, vector<16xf32>,
    tpu.vector_store %arg8[%swap3A_861, %swap3A_862], %scan3A_7 {strides = array<i32>} : memref<256x16xf32, #tpu.memory_space<vmem>>, vector<16xf32>,
    %swap3A_864 = arith.constant 214 : i32
    %swap3A_865 = arith.index_cast %swap3A_864 : i32 to index
    %swap3A_866 = arith.constant 0 : index
    %swap3A_867 = tpu.vector_load %arg8[%swap3A_865, %swap3A_866] {strides = array<i32>} : memref<256x16xf32, #tpu.memory_space<vmem>>, vector<16xf32>,
    tpu.vector_store %arg8[%swap3A_865, %swap3A_866], %scan3A_7 {strides = array<i32>} : memref<256x16xf32, #tpu.memory_space<vmem>>, vector<16xf32>,
    %swap3A_868 = arith.constant 215 : i32
    %swap3A_869 = arith.index_cast %swap3A_868 : i32 to index
    %swap3A_870 = arith.constant 0 : index
    %swap3A_871 = tpu.vector_load %arg8[%swap3A_869, %swap3A_870] {strides = array<i32>} : memref<256x16xf32, #tpu.memory_space<vmem>>, vector<16xf32>,
    tpu.vector_store %arg8[%swap3A_869, %swap3A_870], %scan3A_7 {strides = array<i32>} : memref<256x16xf32, #tpu.memory_space<vmem>>, vector<16xf32>,
    %swap3A_872 = arith.constant 216 : i32
    %swap3A_873 = arith.index_cast %swap3A_872 : i32 to index
    %swap3A_874 = arith.constant 0 : index
    %swap3A_875 = tpu.vector_load %arg8[%swap3A_873, %swap3A_874] {strides = array<i32>} : memref<256x16xf32, #tpu.memory_space<vmem>>, vector<16xf32>,
    tpu.vector_store %arg8[%swap3A_873, %swap3A_874], %scan3A_7 {strides = array<i32>} : memref<256x16xf32, #tpu.memory_space<vmem>>, vector<16xf32>,
    %swap3A_876 = arith.constant 217 : i32
    %swap3A_877 = arith.index_cast %swap3A_876 : i32 to index
    %swap3A_878 = arith.constant 0 : index
    %swap3A_879 = tpu.vector_load %arg8[%swap3A_877, %swap3A_878] {strides = array<i32>} : memref<256x16xf32, #tpu.memory_space<vmem>>, vector<16xf32>,
    tpu.vector_store %arg8[%swap3A_877, %swap3A_878], %scan3A_7 {strides = array<i32>} : memref<256x16xf32, #tpu.memory_space<vmem>>, vector<16xf32>,
    %swap3A_880 = arith.constant 218 : i32
    %swap3A_881 = arith.index_cast %swap3A_880 : i32 to index
    %swap3A_882 = arith.constant 0 : index
    %swap3A_883 = tpu.vector_load %arg8[%swap3A_881, %swap3A_882] {strides = array<i32>} : memref<256x16xf32, #tpu.memory_space<vmem>>, vector<16xf32>,
    tpu.vector_store %arg8[%swap3A_881, %swap3A_882], %scan3A_7 {strides = array<i32>} : memref<256x16xf32, #tpu.memory_space<vmem>>, vector<16xf32>,
    %swap3A_884 = arith.constant 219 : i32
    %swap3A_885 = arith.index_cast %swap3A_884 : i32 to index
    %swap3A_886 = arith.constant 0 : index
    %swap3A_887 = tpu.vector_load %arg8[%swap3A_885, %swap3A_886] {strides = array<i32>} : memref<256x16xf32, #tpu.memory_space<vmem>>, vector<16xf32>,
    tpu.vector_store %arg8[%swap3A_885, %swap3A_886], %scan3A_7 {strides = array<i32>} : memref<256x16xf32, #tpu.memory_space<vmem>>, vector<16xf32>,
    %swap3A_888 = arith.constant 220 : i32
    %swap3A_889 = arith.index_cast %swap3A_888 : i32 to index
    %swap3A_890 = arith.constant 0 : index
    %swap3A_891 = tpu.vector_load %arg8[%swap3A_889, %swap3A_890] {strides = array<i32>} : memref<256x16xf32, #tpu.memory_space<vmem>>, vector<16xf32>,
    tpu.vector_store %arg8[%swap3A_889, %swap3A_890], %scan3A_7 {strides = array<i32>} : memref<256x16xf32, #tpu.memory_space<vmem>>, vector<16xf32>,
    %swap3A_892 = arith.constant 221 : i32
    %swap3A_893 = arith.index_cast %swap3A_892 : i32 to index
    %swap3A_894 = arith.constant 0 : index
    %swap3A_895 = tpu.vector_load %arg8[%swap3A_893, %swap3A_894] {strides = array<i32>} : memref<256x16xf32, #tpu.memory_space<vmem>>, vector<16xf32>,
    tpu.vector_store %arg8[%swap3A_893, %swap3A_894], %scan3A_7 {strides = array<i32>} : memref<256x16xf32, #tpu.memory_space<vmem>>, vector<16xf32>,
    %swap3A_896 = arith.constant 222 : i32
    %swap3A_897 = arith.index_cast %swap3A_896 : i32 to index
    %swap3A_898 = arith.constant 0 : index
    %swap3A_899 = tpu.vector_load %arg8[%swap3A_897, %swap3A_898] {strides = array<i32>} : memref<256x16xf32, #tpu.memory_space<vmem>>, vector<16xf32>,
    tpu.vector_store %arg8[%swap3A_897, %swap3A_898], %scan3A_7 {strides = array<i32>} : memref<256x16xf32, #tpu.memory_space<vmem>>, vector<16xf32>,
    %swap3A_900 = arith.constant 223 : i32
    %swap3A_901 = arith.index_cast %swap3A_900 : i32 to index
    %swap3A_902 = arith.constant 0 : index
    %swap3A_903 = tpu.vector_load %arg8[%swap3A_901, %swap3A_902] {strides = array<i32>} : memref<256x16xf32, #tpu.memory_space<vmem>>, vector<16xf32>,
    tpu.vector_store %arg8[%swap3A_901, %swap3A_902], %scan3A_7 {strides = array<i32>} : memref<256x16xf32, #tpu.memory_space<vmem>>, vector<16xf32>,
    %swap3A_904 = arith.constant 224 : i32
    %swap3A_905 = arith.index_cast %swap3A_904 : i32 to index
    %swap3A_906 = arith.constant 0 : index
    %swap3A_907 = tpu.vector_load %arg8[%swap3A_905, %swap3A_906] {strides = array<i32>} : memref<256x16xf32, #tpu.memory_space<vmem>>, vector<16xf32>,
    tpu.vector_store %arg8[%swap3A_905, %swap3A_906], %scan3A_7 {strides = array<i32>} : memref<256x16xf32, #tpu.memory_space<vmem>>, vector<16xf32>,
    %swap3A_908 = arith.constant 225 : i32
    %swap3A_909 = arith.index_cast %swap3A_908 : i32 to index
    %swap3A_910 = arith.constant 0 : index
    %swap3A_911 = tpu.vector_load %arg8[%swap3A_909, %swap3A_910] {strides = array<i32>} : memref<256x16xf32, #tpu.memory_space<vmem>>, vector<16xf32>,
    tpu.vector_store %arg8[%swap3A_909, %swap3A_910], %scan3A_7 {strides = array<i32>} : memref<256x16xf32, #tpu.memory_space<vmem>>, vector<16xf32>,
    %swap3A_912 = arith.constant 226 : i32
    %swap3A_913 = arith.index_cast %swap3A_912 : i32 to index
    %swap3A_914 = arith.constant 0 : index
    %swap3A_915 = tpu.vector_load %arg8[%swap3A_913, %swap3A_914] {strides = array<i32>} : memref<256x16xf32, #tpu.memory_space<vmem>>, vector<16xf32>,
    tpu.vector_store %arg8[%swap3A_913, %swap3A_914], %scan3A_7 {strides = array<i32>} : memref<256x16xf32, #tpu.memory_space<vmem>>, vector<16xf32>,
    %swap3A_916 = arith.constant 227 : i32
    %swap3A_917 = arith.index_cast %swap3A_916 : i32 to index
    %swap3A_918 = arith.constant 0 : index
    %swap3A_919 = tpu.vector_load %arg8[%swap3A_917, %swap3A_918] {strides = array<i32>} : memref<256x16xf32, #tpu.memory_space<vmem>>, vector<16xf32>,
    tpu.vector_store %arg8[%swap3A_917, %swap3A_918], %scan3A_7 {strides = array<i32>} : memref<256x16xf32, #tpu.memory_space<vmem>>, vector<16xf32>,
    %swap3A_920 = arith.constant 228 : i32
    %swap3A_921 = arith.index_cast %swap3A_920 : i32 to index
    %swap3A_922 = arith.constant 0 : index
    %swap3A_923 = tpu.vector_load %arg8[%swap3A_921, %swap3A_922] {strides = array<i32>} : memref<256x16xf32, #tpu.memory_space<vmem>>, vector<16xf32>,
    tpu.vector_store %arg8[%swap3A_921, %swap3A_922], %scan3A_7 {strides = array<i32>} : memref<256x16xf32, #tpu.memory_space<vmem>>, vector<16xf32>,
    %swap3A_924 = arith.constant 229 : i32
    %swap3A_925 = arith.index_cast %swap3A_924 : i32 to index
    %swap3A_926 = arith.constant 0 : index
    %swap3A_927 = tpu.vector_load %arg8[%swap3A_925, %swap3A_926] {strides = array<i32>} : memref<256x16xf32, #tpu.memory_space<vmem>>, vector<16xf32>,
    tpu.vector_store %arg8[%swap3A_925, %swap3A_926], %scan3A_7 {strides = array<i32>} : memref<256x16xf32, #tpu.memory_space<vmem>>, vector<16xf32>,
    %swap3A_928 = arith.constant 230 : i32
    %swap3A_929 = arith.index_cast %swap3A_928 : i32 to index
    %swap3A_930 = arith.constant 0 : index
    %swap3A_931 = tpu.vector_load %arg8[%swap3A_929, %swap3A_930] {strides = array<i32>} : memref<256x16xf32, #tpu.memory_space<vmem>>, vector<16xf32>,
    tpu.vector_store %arg8[%swap3A_929, %swap3A_930], %scan3A_7 {strides = array<i32>} : memref<256x16xf32, #tpu.memory_space<vmem>>, vector<16xf32>,
    %swap3A_932 = arith.constant 231 : i32
    %swap3A_933 = arith.index_cast %swap3A_932 : i32 to index
    %swap3A_934 = arith.constant 0 : index
    %swap3A_935 = tpu.vector_load %arg8[%swap3A_933, %swap3A_934] {strides = array<i32>} : memref<256x16xf32, #tpu.memory_space<vmem>>, vector<16xf32>,
    tpu.vector_store %arg8[%swap3A_933, %swap3A_934], %scan3A_7 {strides = array<i32>} : memref<256x16xf32, #tpu.memory_space<vmem>>, vector<16xf32>,
    %swap3A_936 = arith.constant 232 : i32
    %swap3A_937 = arith.index_cast %swap3A_936 : i32 to index
    %swap3A_938 = arith.constant 0 : index
    %swap3A_939 = tpu.vector_load %arg8[%swap3A_937, %swap3A_938] {strides = array<i32>} : memref<256x16xf32, #tpu.memory_space<vmem>>, vector<16xf32>,
    tpu.vector_store %arg8[%swap3A_937, %swap3A_938], %scan3A_7 {strides = array<i32>} : memref<256x16xf32, #tpu.memory_space<vmem>>, vector<16xf32>,
    %swap3A_940 = arith.constant 233 : i32
    %swap3A_941 = arith.index_cast %swap3A_940 : i32 to index
    %swap3A_942 = arith.constant 0 : index
    %swap3A_943 = tpu.vector_load %arg8[%swap3A_941, %swap3A_942] {strides = array<i32>} : memref<256x16xf32, #tpu.memory_space<vmem>>, vector<16xf32>,
    tpu.vector_store %arg8[%swap3A_941, %swap3A_942], %scan3A_7 {strides = array<i32>} : memref<256x16xf32, #tpu.memory_space<vmem>>, vector<16xf32>,
    %swap3A_944 = arith.constant 234 : i32
    %swap3A_945 = arith.index_cast %swap3A_944 : i32 to index
    %swap3A_946 = arith.constant 0 : index
    %swap3A_947 = tpu.vector_load %arg8[%swap3A_945, %swap3A_946] {strides = array<i32>} : memref<256x16xf32, #tpu.memory_space<vmem>>, vector<16xf32>,
    tpu.vector_store %arg8[%swap3A_945, %swap3A_946], %scan3A_7 {strides = array<i32>} : memref<256x16xf32, #tpu.memory_space<vmem>>, vector<16xf32>,
    %swap3A_948 = arith.constant 235 : i32
    %swap3A_949 = arith.index_cast %swap3A_948 : i32 to index
    %swap3A_950 = arith.constant 0 : index
    %swap3A_951 = tpu.vector_load %arg8[%swap3A_949, %swap3A_950] {strides = array<i32>} : memref<256x16xf32, #tpu.memory_space<vmem>>, vector<16xf32>,
    tpu.vector_store %arg8[%swap3A_949, %swap3A_950], %scan3A_7 {strides = array<i32>} : memref<256x16xf32, #tpu.memory_space<vmem>>, vector<16xf32>,
    %swap3A_952 = arith.constant 236 : i32
    %swap3A_953 = arith.index_cast %swap3A_952 : i32 to index
    %swap3A_954 = arith.constant 0 : index
    %swap3A_955 = tpu.vector_load %arg8[%swap3A_953, %swap3A_954] {strides = array<i32>} : memref<256x16xf32, #tpu.memory_space<vmem>>, vector<16xf32>,
    tpu.vector_store %arg8[%swap3A_953, %swap3A_954], %scan3A_7 {strides = array<i32>} : memref<256x16xf32, #tpu.memory_space<vmem>>, vector<16xf32>,
    %swap3A_956 = arith.constant 237 : i32
    %swap3A_957 = arith.index_cast %swap3A_956 : i32 to index
    %swap3A_958 = arith.constant 0 : index
    %swap3A_959 = tpu.vector_load %arg8[%swap3A_957, %swap3A_958] {strides = array<i32>} : memref<256x16xf32, #tpu.memory_space<vmem>>, vector<16xf32>,
    tpu.vector_store %arg8[%swap3A_957, %swap3A_958], %scan3A_7 {strides = array<i32>} : memref<256x16xf32, #tpu.memory_space<vmem>>, vector<16xf32>,
    %swap3A_960 = arith.constant 238 : i32
    %swap3A_961 = arith.index_cast %swap3A_960 : i32 to index
    %swap3A_962 = arith.constant 0 : index
    %swap3A_963 = tpu.vector_load %arg8[%swap3A_961, %swap3A_962] {strides = array<i32>} : memref<256x16xf32, #tpu.memory_space<vmem>>, vector<16xf32>,
    tpu.vector_store %arg8[%swap3A_961, %swap3A_962], %scan3A_7 {strides = array<i32>} : memref<256x16xf32, #tpu.memory_space<vmem>>, vector<16xf32>,
    %swap3A_964 = arith.constant 239 : i32
    %swap3A_965 = arith.index_cast %swap3A_964 : i32 to index
    %swap3A_966 = arith.constant 0 : index
    %swap3A_967 = tpu.vector_load %arg8[%swap3A_965, %swap3A_966] {strides = array<i32>} : memref<256x16xf32, #tpu.memory_space<vmem>>, vector<16xf32>,
    tpu.vector_store %arg8[%swap3A_965, %swap3A_966], %scan3A_7 {strides = array<i32>} : memref<256x16xf32, #tpu.memory_space<vmem>>, vector<16xf32>,
    %swap3A_968 = arith.constant 240 : i32
    %swap3A_969 = arith.index_cast %swap3A_968 : i32 to index
    %swap3A_970 = arith.constant 0 : index
    %swap3A_971 = tpu.vector_load %arg8[%swap3A_969, %swap3A_970] {strides = array<i32>} : memref<256x16xf32, #tpu.memory_space<vmem>>, vector<16xf32>,
    tpu.vector_store %arg8[%swap3A_969, %swap3A_970], %scan3A_7 {strides = array<i32>} : memref<256x16xf32, #tpu.memory_space<vmem>>, vector<16xf32>,
    %swap3A_972 = arith.constant 241 : i32
    %swap3A_973 = arith.index_cast %swap3A_972 : i32 to index
    %swap3A_974 = arith.constant 0 : index
    %swap3A_975 = tpu.vector_load %arg8[%swap3A_973, %swap3A_974] {strides = array<i32>} : memref<256x16xf32, #tpu.memory_space<vmem>>, vector<16xf32>,
    tpu.vector_store %arg8[%swap3A_973, %swap3A_974], %scan3A_7 {strides = array<i32>} : memref<256x16xf32, #tpu.memory_space<vmem>>, vector<16xf32>,
    %swap3A_976 = arith.constant 242 : i32
    %swap3A_977 = arith.index_cast %swap3A_976 : i32 to index
    %swap3A_978 = arith.constant 0 : index
    %swap3A_979 = tpu.vector_load %arg8[%swap3A_977, %swap3A_978] {strides = array<i32>} : memref<256x16xf32, #tpu.memory_space<vmem>>, vector<16xf32>,
    tpu.vector_store %arg8[%swap3A_977, %swap3A_978], %scan3A_7 {strides = array<i32>} : memref<256x16xf32, #tpu.memory_space<vmem>>, vector<16xf32>,
    %swap3A_980 = arith.constant 243 : i32
    %swap3A_981 = arith.index_cast %swap3A_980 : i32 to index
    %swap3A_982 = arith.constant 0 : index
    %swap3A_983 = tpu.vector_load %arg8[%swap3A_981, %swap3A_982] {strides = array<i32>} : memref<256x16xf32, #tpu.memory_space<vmem>>, vector<16xf32>,
    tpu.vector_store %arg8[%swap3A_981, %swap3A_982], %scan3A_7 {strides = array<i32>} : memref<256x16xf32, #tpu.memory_space<vmem>>, vector<16xf32>,
    %swap3A_984 = arith.constant 244 : i32
    %swap3A_985 = arith.index_cast %swap3A_984 : i32 to index
    %swap3A_986 = arith.constant 0 : index
    %swap3A_987 = tpu.vector_load %arg8[%swap3A_985, %swap3A_986] {strides = array<i32>} : memref<256x16xf32, #tpu.memory_space<vmem>>, vector<16xf32>,
    tpu.vector_store %arg8[%swap3A_985, %swap3A_986], %scan3A_7 {strides = array<i32>} : memref<256x16xf32, #tpu.memory_space<vmem>>, vector<16xf32>,
    %swap3A_988 = arith.constant 245 : i32
    %swap3A_989 = arith.index_cast %swap3A_988 : i32 to index
    %swap3A_990 = arith.constant 0 : index
    %swap3A_991 = tpu.vector_load %arg8[%swap3A_989, %swap3A_990] {strides = array<i32>} : memref<256x16xf32, #tpu.memory_space<vmem>>, vector<16xf32>,
    tpu.vector_store %arg8[%swap3A_989, %swap3A_990], %scan3A_7 {strides = array<i32>} : memref<256x16xf32, #tpu.memory_space<vmem>>, vector<16xf32>,
    %swap3A_992 = arith.constant 246 : i32
    %swap3A_993 = arith.index_cast %swap3A_992 : i32 to index
    %swap3A_994 = arith.constant 0 : index
    %swap3A_995 = tpu.vector_load %arg8[%swap3A_993, %swap3A_994] {strides = array<i32>} : memref<256x16xf32, #tpu.memory_space<vmem>>, vector<16xf32>,
    tpu.vector_store %arg8[%swap3A_993, %swap3A_994], %scan3A_7 {strides = array<i32>} : memref<256x16xf32, #tpu.memory_space<vmem>>, vector<16xf32>,
    %swap3A_996 = arith.constant 247 : i32
    %swap3A_997 = arith.index_cast %swap3A_996 : i32 to index
    %swap3A_998 = arith.constant 0 : index
    %swap3A_999 = tpu.vector_load %arg8[%swap3A_997, %swap3A_998] {strides = array<i32>} : memref<256x16xf32, #tpu.memory_space<vmem>>, vector<16xf32>,
    tpu.vector_store %arg8[%swap3A_997, %swap3A_998], %scan3A_7 {strides = array<i32>} : memref<256x16xf32, #tpu.memory_space<vmem>>, vector<16xf32>,
    %swap3A_1000 = arith.constant 248 : i32
    %swap3A_1001 = arith.index_cast %swap3A_1000 : i32 to index
    %swap3A_1002 = arith.constant 0 : index
    %swap3A_1003 = tpu.vector_load %arg8[%swap3A_1001, %swap3A_1002] {strides = array<i32>} : memref<256x16xf32, #tpu.memory_space<vmem>>, vector<16xf32>,
    tpu.vector_store %arg8[%swap3A_1001, %swap3A_1002], %scan3A_7 {strides = array<i32>} : memref<256x16xf32, #tpu.memory_space<vmem>>, vector<16xf32>,
    %swap3A_1004 = arith.constant 249 : i32
    %swap3A_1005 = arith.index_cast %swap3A_1004 : i32 to index
    %swap3A_1006 = arith.constant 0 : index
    %swap3A_1007 = tpu.vector_load %arg8[%swap3A_1005, %swap3A_1006] {strides = array<i32>} : memref<256x16xf32, #tpu.memory_space<vmem>>, vector<16xf32>,
    tpu.vector_store %arg8[%swap3A_1005, %swap3A_1006], %scan3A_7 {strides = array<i32>} : memref<256x16xf32, #tpu.memory_space<vmem>>, vector<16xf32>,
    %swap3A_1008 = arith.constant 250 : i32
    %swap3A_1009 = arith.index_cast %swap3A_1008 : i32 to index
    %swap3A_1010 = arith.constant 0 : index
    %swap3A_1011 = tpu.vector_load %arg8[%swap3A_1009, %swap3A_1010] {strides = array<i32>} : memref<256x16xf32, #tpu.memory_space<vmem>>, vector<16xf32>,
    tpu.vector_store %arg8[%swap3A_1009, %swap3A_1010], %scan3A_7 {strides = array<i32>} : memref<256x16xf32, #tpu.memory_space<vmem>>, vector<16xf32>,
    %swap3A_1012 = arith.constant 251 : i32
    %swap3A_1013 = arith.index_cast %swap3A_1012 : i32 to index
    %swap3A_1014 = arith.constant 0 : index
    %swap3A_1015 = tpu.vector_load %arg8[%swap3A_1013, %swap3A_1014] {strides = array<i32>} : memref<256x16xf32, #tpu.memory_space<vmem>>, vector<16xf32>,
    tpu.vector_store %arg8[%swap3A_1013, %swap3A_1014], %scan3A_7 {strides = array<i32>} : memref<256x16xf32, #tpu.memory_space<vmem>>, vector<16xf32>,
    %swap3A_1016 = arith.constant 252 : i32
    %swap3A_1017 = arith.index_cast %swap3A_1016 : i32 to index
    %swap3A_1018 = arith.constant 0 : index
    %swap3A_1019 = tpu.vector_load %arg8[%swap3A_1017, %swap3A_1018] {strides = array<i32>} : memref<256x16xf32, #tpu.memory_space<vmem>>, vector<16xf32>,
    tpu.vector_store %arg8[%swap3A_1017, %swap3A_1018], %scan3A_7 {strides = array<i32>} : memref<256x16xf32, #tpu.memory_space<vmem>>, vector<16xf32>,
    %swap3A_1020 = arith.constant 253 : i32
    %swap3A_1021 = arith.index_cast %swap3A_1020 : i32 to index
    %swap3A_1022 = arith.constant 0 : index
    %swap3A_1023 = tpu.vector_load %arg8[%swap3A_1021, %swap3A_1022] {strides = array<i32>} : memref<256x16xf32, #tpu.memory_space<vmem>>, vector<16xf32>,
    tpu.vector_store %arg8[%swap3A_1021, %swap3A_1022], %scan3A_7 {strides = array<i32>} : memref<256x16xf32, #tpu.memory_space<vmem>>, vector<16xf32>,
    %swap3A_1024 = arith.constant 254 : i32
    %swap3A_1025 = arith.index_cast %swap3A_1024 : i32 to index
    %swap3A_1026 = arith.constant 0 : index
    %swap3A_1027 = tpu.vector_load %arg8[%swap3A_1025, %swap3A_1026] {strides = array<i32>} : memref<256x16xf32, #tpu.memory_space<vmem>>, vector<16xf32>,
    tpu.vector_store %arg8[%swap3A_1025, %swap3A_1026], %scan3A_7 {strides = array<i32>} : memref<256x16xf32, #tpu.memory_space<vmem>>, vector<16xf32>,
    %swap3A_1028 = arith.constant 255 : i32
    %swap3A_1029 = arith.index_cast %swap3A_1028 : i32 to index
    %swap3A_1030 = arith.constant 0 : index
    %swap3A_1031 = tpu.vector_load %arg8[%swap3A_1029, %swap3A_1030] {strides = array<i32>} : memref<256x16xf32, #tpu.memory_space<vmem>>, vector<16xf32>,
    tpu.vector_store %arg8[%swap3A_1029, %swap3A_1030], %scan3A_7 {strides = array<i32>} : memref<256x16xf32, #tpu.memory_space<vmem>>, vector<16xf32>,
    "tpu.region"() ({
      %run_scoped3A = tpu.sem_alloc : memref<!tpu.dma_semaphore, #tpu.memory_space<semaphore_mem>>
      %dma_start3A = arith.constant 0 : i32
      %dma_start3A_1032 = tpu.memref_slice %arg5[%dma_start3A, %mul3A_2] : memref<256x512xf32, #tpu.memory_space<hbm>> -> memref<256x16xf32, #tpu.memory_space<hbm>>
      %dma_start3A_1033 = arith.constant 0 : i32
      %dma_start3A_1034 = tpu.memref_slice %arg5[%dma_start3A_1033, %mul3A_2] : memref<256x512xf32, #tpu.memory_space<hbm>> -> memref<256x16xf32, #tpu.memory_space<hbm>>
      tpu.enqueue_dma source(%arg8 : memref<256x16xf32, #tpu.memory_space<vmem>>) target(%dma_start3A_1034 : memref<256x16xf32, #tpu.memory_space<hbm>>) target_semaphore(%run_scoped3A : memref<!tpu.dma_semaphore, #tpu.memory_space<semaphore_mem>>)
      %dma_wait3A = arith.constant 0 : i32
      %dma_wait3A_1035 = tpu.memref_slice %arg5[%dma_wait3A, %mul3A_2] : memref<256x512xf32, #tpu.memory_space<hbm>> -> memref<256x16xf32, #tpu.memory_space<hbm>>
      %dma_wait3A_1036 = arith.constant 0 : i32
      %dma_wait3A_1037 = tpu.memref_slice %arg5[%dma_wait3A_1036, %mul3A_2] : memref<256x512xf32, #tpu.memory_space<hbm>> -> memref<256x16xf32, #tpu.memory_space<hbm>>
      tpu.wait_dma2 semaphore(%run_scoped3A : memref<!tpu.dma_semaphore, #tpu.memory_space<semaphore_mem>>) src(%arg8 : memref<256x16xf32, #tpu.memory_space<vmem>>) dst(%dma_wait3A_1037 : memref<256x16xf32, #tpu.memory_space<hbm>>)
      tpu.yield
    }) : () -> ()
    return
  }
}

</mosaic_0001>

<sc_bundles>
// kernel: _run.3.cloned.1.call-start
scs
__scs_entry_jumppad:
0x0: {  	(pc) =	sbr.rel $0x88, $3  }
0x1: {  	(tag) =	ssettag $0x0;
	lr =	simm.s32 $0x1  }
0x2: {  	[smem:$0x3F9E] =	sst lr;
	_ =	strace $0xD0000000  }
0x3: {  	_ = 	snop  }
0x4: {  	_ = 	snop  }
0x5: {  	_ = 	snop  }
0x6: {  	_ = 	snop  }
0x7: {  	_ = 	snop  }
__scs_overlays_trampoline_lowered:
0x8: {  	[smem:$0x3FAD] =	sst s0  }
0x9: {  	[smem:$0x3FAE] =	sst s1  }
0xa: {  	[smem:$0x3FAF] =	sst s2  }
0xb: {  	[smem:$0x3FB0] =	sst s3  }
0xc: {  	[smem:$0x3FB1] =	sst s4  }
0xd: {  	[smem:$0x3FB2] =	sst s5  }
0xe: {  	[smem:$0x3FB3] =	sst s6  }
0xf: {  	[smem:$0x3FB4] =	sst s7  }
0x10: {  	[smem:$0x3FB5] =	sst s8  }
0x11: {  	[smem:$0x3FB6] =	sst s9;
	s0 =	simm.s32 @!p0 $0x0  }
0x12: {  	s1 =	sld [smem:$0x3F9C];
	s0 =	simm.s32 @p0 $0x1  }
0x13: {  	[smem:$0x3FB7] =	sst s0;
	s0 =	simm.s32 @!p1 $0x0  }
0x14: {  	s2 =	sld [smem:$0x3F9B];
	s0 =	simm.s32 @p1 $0x1  }
0x15: {  	[smem:$0x3FB8] =	sst s0;
	s0 =	simm.s32 @!p2 $0x0  }
0x16: {  	s3 =	sld [smem:$0x3FDB];
	s0 =	simm.s32 @p2 $0x1  }
0x17: {  	s4 =	simm.s32 $0x1BF5;
	[smem:$0x3FBA] =	sst s0  }
0x18: {  	s0 =	sld [smem:$0x3F9D];
	_ =	swait.ge [sflag:s4], $0x0  }
0x19: {  	s7 =	sld [smem:$0x3F9E]  }
0x1a: {  	s8 =	sadd.s32 $0xFFFFE003, lr  }
0x1b: {  	s9 =	sadd.s32 $0xFFFFFEF7, lr;
	s5 =	simm.s32 $0xFFFFFFFF;
	p2 =	slt.u32 s8, $0xFFFFF086  }
0x1c: {  	p1 =	slt.u32 s9, $0xF7A;
	s5 =	simm.s32 @!p2 $0x0  }
0x1d: {  	s5 =	simm.s32 @p1 $0x1;
	p0 =	seq.s32 s7, s2  }
0x1e: {  	s7 =	smul.u32 @!p0 $0xF7A, s2;
	p2 =	seq.s32 @!p0 s5, $0x0  }
0x1f: {  	s9 =	smul.u32 $0xF7A, s1;
	s8 =	simm.s32 @!p0 $0x1BF5;
	p2 =	por !p2, p0  }
0x20: {  	[sflag:s8] =	ssyncset.s32 @!p0 $0xFFFFF086;
	s6 =	sadd.s32 @!p0 s3, s7;
	s7 =	simm.s32 @!p0 $0x108  }
0x21: {  	s3 =	sadd.s32 s3, s9;
	s6 =	sadd.s32 @!p0 $0x88, s6;
	s7 =	simm.s32 @p2 $0x1082  }
0x22: {  	[simem:s7], [sflag:s8] =	dma.local @!p0 [hbm:s6], $0xF7A  }
0x23: {  	s9 =	sor.u32 $0xD0000000, s2;
	s6 =	simm.s32 $0x108;
	_ =	swait.ge @!p0 [sflag:s8], $0x0  }
0x24: {  	s3 =	sadd.s32 $0x88, s3;
	s6 =	simm.s32 @!p1 $0x1082;
	[sflag:s4] =	ssyncset.s32 $0xFFFFF086  }
0x25: {  	[simem:s6], [sflag:s4] =	dma.local [hbm:s3], $0xF7A  }
0x26: {  	[smem:$0x3F9E] =	sst s1;
	(tag) =	ssettag s2;
	_ =	strace s9  }
0x27: {  	s1 =	sld [smem:$0x3FAE]  }
0x28: {  	s2 =	sld [smem:$0x3FAF]  }
0x29: {  	s4 =	sld [smem:$0x3FB1]  }
0x2a: {  	p0 =	seq.s32 s5, $0x0;
	s5 =	sld [smem:$0x3FB2]  }
0x2b: {  	s6 =	sld [smem:$0x3FB3]  }
0x2c: {  	s7 =	sld [smem:$0x3FB4]  }
0x2d: {  	s3 =	simm.s32 $0x108;
	s8 =	sld [smem:$0x3FB5]  }
0x2e: {  	s3 =	simm.s32 @!p0 $0x1082;
	s9 =	sld [smem:$0x3FB6]  }
0x2f: {  	lr =	sadd.s32 s0, s3;
	s0 =	sld [smem:$0x3FAD]  }
0x30: {  	s3 =	sld [smem:$0x3FB0]  }
0x31: {  	[smem:$0x3FB9] =	sst s10  }
0x32: {  	s10 =	sld [smem:$0x3FB7];
	_ =	sdelay $0x3  }
0x33: {  	p0 =	seq.s32 s10, $0x1;
	s10 =	sld [smem:$0x3FB9];
	_ =	sdelay $0x3  }
0x34: {  	[smem:$0x3FB9] =	sst s10  }
0x35: {  	s10 =	sld [smem:$0x3FB8];
	_ =	sdelay $0x3  }
0x36: {  	p1 =	seq.s32 s10, $0x1;
	s10 =	sld [smem:$0x3FB9];
	_ =	sdelay $0x3  }
0x37: {  	[smem:$0x3FB9] =	sst s10  }
0x38: {  	s10 =	sld [smem:$0x3FBA]  }
0x39: {  	_ = 	snop;
	(pc) =	sbr.ind lr, $3  }
0x3a: {  	_ = 	snop  }
0x3b: {  	_ = 	snop  }
0x3c: {  	p2 =	seq.s32 s10, $0x1;
	s10 =	sld [smem:$0x3FB9]  }
0x3d: {  	_ =	shalt  }
0x3e: {  	_ =	shalt  }
0x3f: {  	_ =	shalt  }
0x40: {  	_ =	shalt  }
0x41: {  	_ =	shalt  }
0x42: {  	_ =	shalt  }
0x43: {  	_ =	shalt  }
0x44: {  	_ =	shalt  }
0x45: {  	_ =	shalt  }
0x46: {  	_ =	shalt  }
0x47: {  	_ =	shalt  }
0x48: {  	_ =	shalt  }
0x49: {  	_ =	shalt  }
0x4a: {  	_ =	shalt  }
0x4b: {  	_ =	shalt  }
0x4c: {  	_ =	shalt  }
0x4d: {  	_ =	shalt  }
0x4e: {  	_ =	shalt  }
0x4f: {  	_ =	shalt  }
0x50: {  	_ =	shalt  }
0x51: {  	_ =	shalt  }
0x52: {  	_ =	shalt  }
0x53: {  	_ =	shalt  }
0x54: {  	_ =	shalt  }
0x55: {  	_ =	shalt  }
0x56: {  	_ =	shalt  }
0x57: {  	_ =	shalt  }
0x58: {  	_ =	shalt  }
0x59: {  	_ =	shalt  }
0x5a: {  	_ =	shalt  }
0x5b: {  	_ =	shalt  }
0x5c: {  	_ =	shalt  }
0x5d: {  	_ =	shalt  }
0x5e: {  	_ =	shalt  }
0x5f: {  	_ =	shalt  }
0x60: {  	_ =	shalt  }
0x61: {  	_ =	shalt  }
0x62: {  	_ =	shalt  }
0x63: {  	_ =	shalt  }
0x64: {  	_ =	shalt  }
0x65: {  	_ =	shalt  }
0x66: {  	_ =	shalt  }
0x67: {  	_ =	shalt  }
0x68: {  	_ =	shalt  }
0x69: {  	_ =	shalt  }
0x6a: {  	_ =	shalt  }
0x6b: {  	_ =	shalt  }
0x6c: {  	_ =	shalt  }
0x6d: {  	_ =	shalt  }
0x6e: {  	_ =	shalt  }
0x6f: {  	_ =	shalt  }
0x70: {  	_ =	shalt  }
0x71: {  	_ =	shalt  }
0x72: {  	_ =	shalt  }
0x73: {  	_ =	shalt  }
0x74: {  	_ =	shalt  }
0x75: {  	_ =	shalt  }
0x76: {  	_ =	shalt  }
0x77: {  	_ =	shalt  }
0x78: {  	_ =	shalt  }
0x79: {  	_ =	shalt  }
0x7a: {  	_ =	shalt  }
0x7b: {  	_ =	shalt  }
0x7c: {  	_ =	shalt  }
0x7d: {  	_ =	shalt  }
0x7e: {  	_ =	shalt  }
0x7f: {  	_ =	shalt  }
0x80: {  	_ =	shalt  }
0x81: {  	_ =	shalt  }
0x82: {  	_ =	shalt  }
0x83: {  	_ =	shalt  }
0x84: {  	_ =	shalt  }
0x85: {  	_ =	shalt  }
0x86: {  	_ =	shalt  }
0x87: {  	_ =	shalt  }
.Lfunc_end0:
.L_simem_size_0:
called_computation_lowered:
.L_overlay_start_0:
0x88: {  	s2 =	sld [smem:$0x3FD9]  }
0x89: {  	s3 =	sld [smem:$0x3FFE];
	_ =	sdelay $0x1  }
0x8a: {  	s1 =	srdreg.scid  }
0x8b: {  	s0 =	sand.u32 $0x1, s1  }
0x8c: {  	s17 =	sshll.u32 s0, $0xA;
	s2 =	sadd.s32 s3, s2  }
0x8d: {  	s2 =	sadd.s32 s2, s17  }
0x8e: {  	[smem:$0x3FC5] =	sst s2  }
0x8f: {  	_ = 	snop  }
0x90: {  	s2 =	sld [smem:$0x3FD0];
	(tm) =	ssettm $0x1  }
0x91: {  	s18 =	sld [smem:$0x3FFB];
	_ =	sdelay $0x3  }
0x92: {  	_ =	strace s18  }
0x93: {  	s3 =	sld [smem:$0x3FFC];
	_ =	sdelay $0x3  }
0x94: {  	_ =	strace s3  }
0x95: {  	s3 =	sld [smem:$0x3FFD];
	_ =	sdelay $0x3  }
0x96: {  	_ =	strace s3  }
0x97: {  	_ =	strace $0x8FFFFFFF  }
0x98: {  	s19 =	sld [smem:$0x3FDB];
	_ =	sdelay $0x1  }
0x99: {  	s4 =	simm.s32 $_scs_section_size  }
0x9a: {  	s5 =	simm.s32 $_size__tile_overlayer_lowered;
	s6 =	simm.s32 $_tile_overlayer_lowered  }
0x9b: {  	s22 =	simm.s32 $0x1BFF;
	s21 =	sshll.u32 s6, $0x1;
	s3 =	sadd.s32 s4, s19  }
0x9c: {  	s7 =	simm.s32 $0x0;
	s20 =	sshll.u32 s5, $0x1;
	s5 =	sadd.s32 s21, s3  }
0x9d: {  	[timem:s7], [sflag:s22] =	dma.local [hbm:s5], s20  }
0x9e: {  	_ =	swait.ge [sflag:s22], s20  }
0x9f: {  	s4 =	ssub.s32 $0x0, s20;
	[sflag:s22] =	ssyncset.done $0x0  }
0xa0: {  	[sflag:s22] =	ssyncadd.s32 s4;
	_ =	sdelay $0x1  }
0xa1: {  	s23 =	simm.s32 $0x1B8B  }
0xa2: {  	_ =	swait.ge [sflag:s23], $0x1  }
0xa3: {  	[sflag:s23] =	ssyncset.done $0x0  }
0xa4: {  	s25 =	simm.s32 $0x1B8E;
	s24 =	sld [smem:$0x3FFE];
	[sflag:s23] =	ssyncadd.s32 $0xFFFFFFFF  }
0xa5: {  	s26 =	simm.s32 $execute0_lowered;
	[smem:$0x3FD2] =	sst s25  }
0xa6: {  	s5 =	sshll.u32 s26, $0x1;
	_ =	strace $0x80000046;
	[dreg:$0x1] =	wrdreg $0xFFFFFFFF  }
0xa7: {  	s28 =	simm.s32 $_size_execute0_lowered;
	s3 =	sadd.s32 s3, s5;
	[dreg:$0x0] =	wrdreg $0x0  }
0xa8: {  	s5 =	sshll.u32 s28, $0x1;
	[dreg:$0x2] =	wrdreg s3  }
0xa9: {  	[dreg:$0x3] =	wrdreg s5  }
0xaa: {  	[dreg:$0x4] =	wrdreg $0xC0  }
0xab: {  	_ =	task [dreg:s7], $0x5FFFF  }
0xac: {  	[dreg:$0x1] =	wrdreg $0xFFFFFFFF  }
0xad: {  	[dreg:$0x0] =	wrdreg $0x60  }
0xae: {  	[dreg:$0x2] =	wrdreg s2  }
0xaf: {  	[dreg:$0x3] =	wrdreg s24  }
0xb0: {  	[dreg:$0x4] =	wrdreg $0x9  }
0xb1: {  	_ =	task.clear_ibuf [dreg:s7], $0x5FFFF;
	_ =	strace $0x90000046  }
0xb2: {  	s29 =	simm.s32 $0x9;
	_ =	strace $0x80000048  }
0xb3: {  	_ =	swait.ge [sflag:s29], $0x1  }
0xb4: {  	[sflag:s29] =	ssyncadd.s32 $0xFFFFFFFF  }
0xb5: {  	_ =	strace $0x90000048  }
0xb6: {  	_ =	sfence  }
0xb7: {  	s30 =	sld [smem:$0x0];
	_ =	sdelay $0x2  }
0xb8: {  	s31 =	sshll.u32 s1, $0xD;
	s1 =	sshrl.u32 s1, $0x2  }
0xb9: {  	s3 =	sand.u32 $0x4000, s31;
	s1 =	sadd.s32 s1, s30  }
0xba: {  	s0 =	sor.u32 s3, s0;
	s1 =	sshll.u32 s1, $0x11  }
0xbb: {  	s0 =	sor.u32 s1, s0  }
0xbc: {  	s0 =	sadd.s32 $0x8F2B, s0  }
0xbd: {  	[sflag:s0] =	ssyncadd.remote.s32 $0x1  }
0xbe: {  	_ =	sfence.sel $0xFFFF  }
0xbf: {  	[dreg:$0x0] =	wrdreg $0xFFFFFFFF;
	(pc) =	sbr.abs _section_cstart, $3  }
0xc0: {  	[dreg:$0x1] =	wrdreg $0xFFFFFFFF  }
0xc1: {  	_ =	task.clear_ibuf [dreg:s7], $0x2FFFF;
	_ =	strace $0x9FFFFFFF  }
0xc2: {  	(tm) =	ssettm $0x7FFFFFFF  }
0xc3: {  	_ =	shalt  }
tec
execute0_lowered:
.L_overlay_start_1:
0x0: {  	(tag) =	ssettag $0x1  }
0x1: {  	s1 =	rddreg [dreg:$0x0]  }
0x2: {  	s5 =	rddreg [dreg:$0x1];
	s2 =	simm.s32 $0x0  }
0x3: {  	[smem:$0x7FF] =	sst s2  }
0x4: {  	s0 =	rddreg [dreg:$0x2];
	v0 =	vimm.f32 $1.000000050e-03;
	_ =	strace $0x80000047  }
0x5: {  	(erf) = vrcp.f32 v0;
	_ =	sdelay $0x2  }
0x6: {  	s4 =	srdreg.scid;
	s3 =	stileid.u32  }
0x7: {  	s9 =	simm.s32 $0x200;
	s10 =	simm.s32 $0x1;
	s11 =	simm.s32 $0x2000  }
0x8: {  	s12 =	simm.s32 $0x4A00;
	s13 =	simm.s32 $0x0;
	s4 =	sand.u32 $0x1, s4  }
0x9: {  	s6 =	sshll.u32 s3, $0x2;
	s7 =	sshll.u32 s4, $0x1;
	s8 =	ssub.s32 $0x2, s4  }
0xa: {  	s4 =	sadd.s32 $0x600, s5;
	s6 =	sor.u32 s7, s6;
	s31 =	sshrl.u32 s8, $0x1  }
0xb: {  	s6 =	sadd.s32 s6, s5;
	s7 =	ssub.s32 s8, s31;
	s8 =	simm.s32 $0x10  }
0xc: {  	v1 =	vimm.s32 $0x15;
	s5 =	sadd.s32 $0xC00, s6;
	s6 =	sadd.s32 $0x8C00, s6;
	s7 =	smax.u32 s7, $0x1;
	v0 =	vpop (erf)  }
.LBB2_1:
0xd: {  	[tilespmem:s2], [sflag:$0x1] =	stream.strided.gather [hbm4b:s5+s8], $0x2000, s9, s8, $0x38;
	[tilespmem:$0x5A00] =	vst v63  }
0xe: {  	_ =	swait.ge [sflag:s10], $0x2000  }
0xf: {  	[sflag:s10] =	ssyncset.done $0x0  }
0x10: {  	[sflag:s10] =	ssyncadd.s32 $0xFFFFE000  }
0x11: {  	[tilespmem:s11], [sflag:$0x1] =	stream.linear.gather [hbm4b:s4+s2], $0x2A00, $0x38;
	[tilespmem:$0x5A00] =	vst v63  }
0x12: {  	_ =	swait.ge [sflag:s10], $0x2A00  }
0x13: {  	[sflag:s10] =	ssyncset.done $0x0  }
0x14: {  	[sflag:s10] =	ssyncadd.s32 $0xFFFFD600  }
0x15: {  	[tilespmem:s11], [sflag:$0x1] =	stream.linear.gather [hbm4b:s1+s2], $0x200, $0x38;
	[tilespmem:$0x5A00] =	vst v63  }
0x16: {  	_ =	swait.ge [sflag:s10], $0x200  }
0x17: {  	[sflag:s10] =	ssyncset.done $0x0  }
0x18: {  	[sflag:s10] =	ssyncadd.s32 $0xFFFFFE00  }
0x19: {  	v2 =	vld [tilespmem:s2+$0x0];
	_ =	sdelay $0x3  }
0x1a: {  	s14 =	simm.s32 $0x10  }
0x1b: {  	v3 =	vld [tilespmem:s14+$0x0];
	v2 =	vmul.f32 v2, v0;
	_ =	sdelay $0x1  }
0x1c: {  	v2 =	vtrunc.f32 v2  }
0x1d: {  	v6 =	vcvt.f32.s32 v2;
	_ =	sdelay $0x1  }
0x1e: {  	s28 =	simm.s32 $0x20;
	v2 =	vmul.f32 v3, v0;
	v3 =	vsub.s32 $0x15, v6  }
0x1f: {  	v5 =	vmov s2;
	v4 =	vld [tilespmem:s28+$0x0];
	vm0 =	vgt.s32 v3, $0x0  }
0x20: {  	v5 =	vand.u32 $0x1FF, v5;
	v3 =	vnsel vm0, $0x0, v3  }
0x21: {  	v5 =	vbroadcast v5, $0x0;
	v2 =	vtrunc.f32 v2;
	v3 =	vmin.u32 v3, $0x14  }
0x22: {  	vm11 =	veq.s32 v6, $0x0;
	v2 =	vcvt.f32.s32 v2;
	v3 =	vshll.u32 v3, $0x9  }
0x23: {  	v3 =	vsel vm11, $0x0, v3  }
0x24: {  	s29 =	simm.s32 $0x30;
	v4 =	vmul.f32 v4, v0;
	v7 =	vsub.s32 $0x15, v2;
	v5 =	vor.u32 v5, v3  }
0x25: {  	s15 =	simm.s32 $0x1;
	v8 =	vld [tilespmem:s29+$0x0];
	vm12 =	vgt.s32 v7, $0x0  }
0x26: {  	v4 =	vtrunc.f32 v4;
	v7 =	vnsel vm12, $0x0, v7;
	v3 =	vmov s15  }
0x27: {  	v9 =	vand.u32 $0x1FF, v3;
	v3 =	vcvt.f32.s32 v4;
	v4 =	vmin.u32 v7, $0x14  }
0x28: {  	vm13 =	veq.s32 v2, $0x0;
	v7 =	vbroadcast v9, $0x0;
	v4 =	vshll.u32 v4, $0x9  }
0x29: {  	s30 =	simm.s32 $0x40;
	v4 =	vsel vm13, $0x0, v4;
	v11 =	vld.idx.msk [tilespmem:v5+s11+$0x0], $0xffff  }
0x2a: {  	v9 =	vsub.s32 $0x15, v3;
	v12 =	vor.u32 v7, v4;
	v5 =	vmul.f32 v8, v0;
	v8 =	vld [tilespmem:s30+$0x0]  }
0x2b: {  	s31 =	simm.s32 $0x2;
	vm1 =	vgt.s32 v1, v6;
	vm15 =	veq.s32 v3, $0x0;
	vm14 =	vgt.s32 v9, $0x0  }
0x2c: {  	v4 =	vimm.f32 $0.0e+00;
	v7 =	vmov s31;
	v9 =	vnsel vm14, $0x0, v9  }
0x2d: {  	v7 =	vand.u32 $0x1FF, v7;
	v9 =	vmin.u32 v9, $0x14;
	v5 =	vtrunc.f32 v5  }
0x2e: {  	s16 =	simm.s32 $0x5;
	v7 =	vbroadcast v7, $0x0;
	v10 =	vshll.u32 v9, $0x9;
	v5 =	vcvt.f32.s32 v5  }
0x2f: {  	s17 =	simm.s32 $0x50;
	s14 =	simm.s32 $0x4;
	s15 =	simm.s32 $0x3;
	v10 =	vsel vm15, $0x0, v10;
	v6 =	vld.idx.msk [tilespmem:v12+s11+$0x0], $0xffff;
	v9 =	vmul.f32 v8, v0;
	v8 =	vnsel vm1, $0x0, v11  }
.LBB2_2:
0x30: {  	v11 =	vld [tilespmem:s17+$0x0];
	v12 =	vsub.s32 $0x15, v5;
	v13 =	vor.u32 v7, v10;
	v4 =	vadd.f32 v8, v4;
	p0 =	sne.s32 s16, $0x1FF  }
.Ltmp0:
0x31: {  	v7 =	vmov s15;
	s15 =	smov.u32 s14;
	s14 =	smov.u32 s16;
	vm0 =	vgt.s32 v12, $0x0;
	(pc) =	sbr.rel @p0 .LBB2_2-.Ltmp0, $4  }
0x32: {  	s16 =	sadd.s32 $0x1, s16;
	v8 =	vtrunc.f32 v9;
	v7 =	vand.u32 $0x1FF, v7;
	v9 =	vnsel vm0, $0x0, v12  }
0x33: {  	v12 =	vcvt.f32.s32 v8;
	v7 =	vbroadcast v7, $0x0;
	v8 =	vmin.u32 v9, $0x14  }
0x34: {  	vm1 =	vgt.s32 v1, v2;
	v2 =	vmovc v3;
	v3 =	vmovc v5;
	vm0 =	veq.s32 v5, $0x0;
	v8 =	vshll.u32 v8, $0x9  }
0x35: {  	s17 =	sadd.s32 $0x10, s17;
	v5 =	vmovc v12;
	v9 =	vmul.f32 v11, v0;
	v10 =	vsel vm0, $0x0, v8;
	v8 =	vnsel vm1, $0x0, v6;
	v6 =	vld.idx.msk [tilespmem:v13+s11+$0x0], $0xffff  }
0x36: {  	_ = 	snop  }
0x37: {  	v11 =	vsub.s32 $0x15, v5;
	v9 =	vtrunc.f32 v9  }
0x38: {  	v12 =	vmov s15;
	v7 =	vor.u32 v7, v10;
	v9 =	vcvt.f32.s32 v9  }
0x39: {  	vm10 =	veq.s32 v5, $0x0;
	v13 =	vmov s14;
	vm0 =	vgt.s32 v11, $0x0  }
0x3a: {  	v60 =	vand.u32 $0x1FF, v12;
	v59 =	vnsel vm0, $0x0, v11;
	v61 =	vsub.s32 $0x15, v9  }
0x3b: {  	v62 =	vand.u32 $0x1FF, v13;
	v10 =	vmin.u32 v59, $0x14;
	vm1 =	vgt.s32 v61, $0x0  }
0x3c: {  	v11 =	vbroadcast v60, $0x0;
	v10 =	vshll.u32 v10, $0x9;
	v12 =	vnsel vm1, $0x0, v61  }
0x3d: {  	vm11 =	veq.s32 v9, $0x0;
	v10 =	vsel vm10, $0x0, v10;
	v12 =	vmin.u32 v12, $0x14  }
0x3e: {  	v10 =	vor.u32 v11, v10;
	v11 =	vbroadcast v62, $0x0;
	v12 =	vshll.u32 v12, $0x9  }
0x3f: {  	v12 =	vsel vm11, $0x0, v12  }
0x40: {  	v11 =	vor.u32 v11, v12  }
0x41: {  	v7 =	vld.idx.msk [tilespmem:v7+s11+$0x0], $0xffff;
	_ =	sdelay $0x1  }
0x42: {  	v4 =	vadd.f32 v8, v4;
	vm12 =	vgt.s32 v1, v2;
	v2 =	vld.idx.msk [tilespmem:v10+s11+$0x0], $0xffff  }
0x43: {  	v6 =	vnsel vm12, $0x0, v6  }
0x44: {  	vm13 =	vgt.s32 v1, v3;
	v4 =	vadd.f32 v6, v4;
	v3 =	vld.idx.msk [tilespmem:v11+s11+$0x0], $0xffff  }
0x45: {  	v63 =	vnsel vm13, $0x0, v7  }
0x46: {  	vm14 =	vgt.s32 v1, v5;
	v4 =	vadd.f32 v63, v4  }
0x47: {  	v2 =	vnsel vm14, $0x0, v2  }
0x48: {  	vm15 =	vgt.s32 v1, v9;
	v2 =	vadd.f32 v2, v4  }
0x49: {  	v3 =	vnsel vm15, $0x0, v3  }
0x4a: {  	v2 =	vadd.f32 v3, v2;
	_ =	sdelay $0x1  }
0x4b: {  	[tilespmem:$0x4A00] =	vst v2  }
0x4c: {  	[tilespmem:$0x4A10] =	vst v2  }
0x4d: {  	[tilespmem:$0x4A20] =	vst v2  }
0x4e: {  	[tilespmem:$0x4A30] =	vst v2  }
0x4f: {  	[tilespmem:$0x4A40] =	vst v2  }
0x50: {  	[tilespmem:$0x4A50] =	vst v2  }
0x51: {  	[tilespmem:$0x4A60] =	vst v2  }
0x52: {  	[tilespmem:$0x4A70] =	vst v2  }
0x53: {  	[tilespmem:$0x4A80] =	vst v2  }
0x54: {  	[tilespmem:$0x4A90] =	vst v2  }
0x55: {  	[tilespmem:$0x4AA0] =	vst v2  }
0x56: {  	[tilespmem:$0x4AB0] =	vst v2  }
0x57: {  	[tilespmem:$0x4AC0] =	vst v2  }
0x58: {  	[tilespmem:$0x4AD0] =	vst v2  }
0x59: {  	[tilespmem:$0x4AE0] =	vst v2  }
0x5a: {  	[tilespmem:$0x4AF0] =	vst v2  }
0x5b: {  	[tilespmem:$0x4B00] =	vst v2  }
0x5c: {  	[tilespmem:$0x4B10] =	vst v2  }
0x5d: {  	[tilespmem:$0x4B20] =	vst v2  }
0x5e: {  	[tilespmem:$0x4B30] =	vst v2  }
0x5f: {  	[tilespmem:$0x4B40] =	vst v2  }
0x60: {  	[tilespmem:$0x4B50] =	vst v2  }
0x61: {  	[tilespmem:$0x4B60] =	vst v2  }
0x62: {  	[tilespmem:$0x4B70] =	vst v2  }
0x63: {  	[tilespmem:$0x4B80] =	vst v2  }
0x64: {  	[tilespmem:$0x4B90] =	vst v2  }
0x65: {  	[tilespmem:$0x4BA0] =	vst v2  }
0x66: {  	[tilespmem:$0x4BB0] =	vst v2  }
0x67: {  	[tilespmem:$0x4BC0] =	vst v2  }
0x68: {  	[tilespmem:$0x4BD0] =	vst v2  }
0x69: {  	[tilespmem:$0x4BE0] =	vst v2  }
0x6a: {  	[tilespmem:$0x4BF0] =	vst v2  }
0x6b: {  	[tilespmem:$0x4C00] =	vst v2  }
0x6c: {  	[tilespmem:$0x4C10] =	vst v2  }
0x6d: {  	[tilespmem:$0x4C20] =	vst v2  }
0x6e: {  	[tilespmem:$0x4C30] =	vst v2  }
0x6f: {  	[tilespmem:$0x4C40] =	vst v2  }
0x70: {  	[tilespmem:$0x4C50] =	vst v2  }
0x71: {  	[tilespmem:$0x4C60] =	vst v2  }
0x72: {  	[tilespmem:$0x4C70] =	vst v2  }
0x73: {  	[tilespmem:$0x4C80] =	vst v2  }
0x74: {  	[tilespmem:$0x4C90] =	vst v2  }
0x75: {  	[tilespmem:$0x4CA0] =	vst v2  }
0x76: {  	[tilespmem:$0x4CB0] =	vst v2  }
0x77: {  	[tilespmem:$0x4CC0] =	vst v2  }
0x78: {  	[tilespmem:$0x4CD0] =	vst v2  }
0x79: {  	[tilespmem:$0x4CE0] =	vst v2  }
0x7a: {  	[tilespmem:$0x4CF0] =	vst v2  }
0x7b: {  	[tilespmem:$0x4D00] =	vst v2  }
0x7c: {  	[tilespmem:$0x4D10] =	vst v2  }
0x7d: {  	[tilespmem:$0x4D20] =	vst v2  }
0x7e: {  	[tilespmem:$0x4D30] =	vst v2  }
0x7f: {  	[tilespmem:$0x4D40] =	vst v2  }
0x80: {  	[tilespmem:$0x4D50] =	vst v2  }
0x81: {  	[tilespmem:$0x4D60] =	vst v2  }
0x82: {  	[tilespmem:$0x4D70] =	vst v2  }
0x83: {  	[tilespmem:$0x4D80] =	vst v2  }
0x84: {  	[tilespmem:$0x4D90] =	vst v2  }
0x85: {  	[tilespmem:$0x4DA0] =	vst v2  }
0x86: {  	[tilespmem:$0x4DB0] =	vst v2  }
0x87: {  	[tilespmem:$0x4DC0] =	vst v2  }
0x88: {  	[tilespmem:$0x4DD0] =	vst v2  }
0x89: {  	[tilespmem:$0x4DE0] =	vst v2  }
0x8a: {  	[tilespmem:$0x4DF0] =	vst v2  }
0x8b: {  	[tilespmem:$0x4E00] =	vst v2  }
0x8c: {  	[tilespmem:$0x4E10] =	vst v2  }
0x8d: {  	[tilespmem:$0x4E20] =	vst v2  }
0x8e: {  	[tilespmem:$0x4E30] =	vst v2  }
0x8f: {  	[tilespmem:$0x4E40] =	vst v2  }
0x90: {  	[tilespmem:$0x4E50] =	vst v2  }
0x91: {  	[tilespmem:$0x4E60] =	vst v2  }
0x92: {  	[tilespmem:$0x4E70] =	vst v2  }
0x93: {  	[tilespmem:$0x4E80] =	vst v2  }
0x94: {  	[tilespmem:$0x4E90] =	vst v2  }
0x95: {  	[tilespmem:$0x4EA0] =	vst v2  }
0x96: {  	[tilespmem:$0x4EB0] =	vst v2  }
0x97: {  	[tilespmem:$0x4EC0] =	vst v2  }
0x98: {  	[tilespmem:$0x4ED0] =	vst v2  }
0x99: {  	[tilespmem:$0x4EE0] =	vst v2  }
0x9a: {  	[tilespmem:$0x4EF0] =	vst v2  }
0x9b: {  	[tilespmem:$0x4F00] =	vst v2  }
0x9c: {  	[tilespmem:$0x4F10] =	vst v2  }
0x9d: {  	[tilespmem:$0x4F20] =	vst v2  }
0x9e: {  	[tilespmem:$0x4F30] =	vst v2  }
0x9f: {  	[tilespmem:$0x4F40] =	vst v2  }
0xa0: {  	[tilespmem:$0x4F50] =	vst v2  }
0xa1: {  	[tilespmem:$0x4F60] =	vst v2  }
0xa2: {  	[tilespmem:$0x4F70] =	vst v2  }
0xa3: {  	[tilespmem:$0x4F80] =	vst v2  }
0xa4: {  	[tilespmem:$0x4F90] =	vst v2  }
0xa5: {  	[tilespmem:$0x4FA0] =	vst v2  }
0xa6: {  	[tilespmem:$0x4FB0] =	vst v2  }
0xa7: {  	[tilespmem:$0x4FC0] =	vst v2  }
0xa8: {  	[tilespmem:$0x4FD0] =	vst v2  }
0xa9: {  	[tilespmem:$0x4FE0] =	vst v2  }
0xaa: {  	[tilespmem:$0x4FF0] =	vst v2  }
0xab: {  	[tilespmem:$0x5000] =	vst v2  }
0xac: {  	[tilespmem:$0x5010] =	vst v2  }
0xad: {  	[tilespmem:$0x5020] =	vst v2  }
0xae: {  	[tilespmem:$0x5030] =	vst v2  }
0xaf: {  	[tilespmem:$0x5040] =	vst v2  }
0xb0: {  	[tilespmem:$0x5050] =	vst v2  }
0xb1: {  	[tilespmem:$0x5060] =	vst v2  }
0xb2: {  	[tilespmem:$0x5070] =	vst v2  }
0xb3: {  	[tilespmem:$0x5080] =	vst v2  }
0xb4: {  	[tilespmem:$0x5090] =	vst v2  }
0xb5: {  	[tilespmem:$0x50A0] =	vst v2  }
0xb6: {  	[tilespmem:$0x50B0] =	vst v2  }
0xb7: {  	[tilespmem:$0x50C0] =	vst v2  }
0xb8: {  	[tilespmem:$0x50D0] =	vst v2  }
0xb9: {  	[tilespmem:$0x50E0] =	vst v2  }
0xba: {  	[tilespmem:$0x50F0] =	vst v2  }
0xbb: {  	[tilespmem:$0x5100] =	vst v2  }
0xbc: {  	[tilespmem:$0x5110] =	vst v2  }
0xbd: {  	[tilespmem:$0x5120] =	vst v2  }
0xbe: {  	[tilespmem:$0x5130] =	vst v2  }
0xbf: {  	[tilespmem:$0x5140] =	vst v2  }
0xc0: {  	[tilespmem:$0x5150] =	vst v2  }
0xc1: {  	[tilespmem:$0x5160] =	vst v2  }
0xc2: {  	[tilespmem:$0x5170] =	vst v2  }
0xc3: {  	[tilespmem:$0x5180] =	vst v2  }
0xc4: {  	[tilespmem:$0x5190] =	vst v2  }
0xc5: {  	[tilespmem:$0x51A0] =	vst v2  }
0xc6: {  	[tilespmem:$0x51B0] =	vst v2  }
0xc7: {  	[tilespmem:$0x51C0] =	vst v2  }
0xc8: {  	[tilespmem:$0x51D0] =	vst v2  }
0xc9: {  	[tilespmem:$0x51E0] =	vst v2  }
0xca: {  	[tilespmem:$0x51F0] =	vst v2  }
0xcb: {  	[tilespmem:$0x5200] =	vst v2  }
0xcc: {  	[tilespmem:$0x5210] =	vst v2  }
0xcd: {  	[tilespmem:$0x5220] =	vst v2  }
0xce: {  	[tilespmem:$0x5230] =	vst v2  }
0xcf: {  	[tilespmem:$0x5240] =	vst v2  }
0xd0: {  	[tilespmem:$0x5250] =	vst v2  }
0xd1: {  	[tilespmem:$0x5260] =	vst v2  }
0xd2: {  	[tilespmem:$0x5270] =	vst v2  }
0xd3: {  	[tilespmem:$0x5280] =	vst v2  }
0xd4: {  	[tilespmem:$0x5290] =	vst v2  }
0xd5: {  	[tilespmem:$0x52A0] =	vst v2  }
0xd6: {  	[tilespmem:$0x52B0] =	vst v2  }
0xd7: {  	[tilespmem:$0x52C0] =	vst v2  }
0xd8: {  	[tilespmem:$0x52D0] =	vst v2  }
0xd9: {  	[tilespmem:$0x52E0] =	vst v2  }
0xda: {  	[tilespmem:$0x52F0] =	vst v2  }
0xdb: {  	[tilespmem:$0x5300] =	vst v2  }
0xdc: {  	[tilespmem:$0x5310] =	vst v2  }
0xdd: {  	[tilespmem:$0x5320] =	vst v2  }
0xde: {  	[tilespmem:$0x5330] =	vst v2  }
0xdf: {  	[tilespmem:$0x5340] =	vst v2  }
0xe0: {  	[tilespmem:$0x5350] =	vst v2  }
0xe1: {  	[tilespmem:$0x5360] =	vst v2  }
0xe2: {  	[tilespmem:$0x5370] =	vst v2  }
0xe3: {  	[tilespmem:$0x5380] =	vst v2  }
0xe4: {  	[tilespmem:$0x5390] =	vst v2  }
0xe5: {  	[tilespmem:$0x53A0] =	vst v2  }
0xe6: {  	[tilespmem:$0x53B0] =	vst v2  }
0xe7: {  	[tilespmem:$0x53C0] =	vst v2  }
0xe8: {  	[tilespmem:$0x53D0] =	vst v2  }
0xe9: {  	[tilespmem:$0x53E0] =	vst v2  }
0xea: {  	[tilespmem:$0x53F0] =	vst v2  }
0xeb: {  	[tilespmem:$0x5400] =	vst v2  }
0xec: {  	[tilespmem:$0x5410] =	vst v2  }
0xed: {  	[tilespmem:$0x5420] =	vst v2  }
0xee: {  	[tilespmem:$0x5430] =	vst v2  }
0xef: {  	[tilespmem:$0x5440] =	vst v2  }
0xf0: {  	[tilespmem:$0x5450] =	vst v2  }
0xf1: {  	[tilespmem:$0x5460] =	vst v2  }
0xf2: {  	[tilespmem:$0x5470] =	vst v2  }
0xf3: {  	[tilespmem:$0x5480] =	vst v2  }
0xf4: {  	[tilespmem:$0x5490] =	vst v2  }
0xf5: {  	[tilespmem:$0x54A0] =	vst v2  }
0xf6: {  	[tilespmem:$0x54B0] =	vst v2  }
0xf7: {  	[tilespmem:$0x54C0] =	vst v2  }
0xf8: {  	[tilespmem:$0x54D0] =	vst v2  }
0xf9: {  	[tilespmem:$0x54E0] =	vst v2  }
0xfa: {  	[tilespmem:$0x54F0] =	vst v2  }
0xfb: {  	[tilespmem:$0x5500] =	vst v2  }
0xfc: {  	[tilespmem:$0x5510] =	vst v2  }
0xfd: {  	[tilespmem:$0x5520] =	vst v2  }
0xfe: {  	[tilespmem:$0x5530] =	vst v2  }
0xff: {  	[tilespmem:$0x5540] =	vst v2  }
0x100: {  	[tilespmem:$0x5550] =	vst v2  }
0x101: {  	[tilespmem:$0x5560] =	vst v2  }
0x102: {  	[tilespmem:$0x5570] =	vst v2  }
0x103: {  	[tilespmem:$0x5580] =	vst v2  }
0x104: {  	[tilespmem:$0x5590] =	vst v2  }
0x105: {  	[tilespmem:$0x55A0] =	vst v2  }
0x106: {  	[tilespmem:$0x55B0] =	vst v2  }
0x107: {  	[tilespmem:$0x55C0] =	vst v2  }
0x108: {  	[tilespmem:$0x55D0] =	vst v2  }
0x109: {  	[tilespmem:$0x55E0] =	vst v2  }
0x10a: {  	[tilespmem:$0x55F0] =	vst v2  }
0x10b: {  	[tilespmem:$0x5600] =	vst v2  }
0x10c: {  	[tilespmem:$0x5610] =	vst v2  }
0x10d: {  	[tilespmem:$0x5620] =	vst v2  }
0x10e: {  	[tilespmem:$0x5630] =	vst v2  }
0x10f: {  	[tilespmem:$0x5640] =	vst v2  }
0x110: {  	[tilespmem:$0x5650] =	vst v2  }
0x111: {  	[tilespmem:$0x5660] =	vst v2  }
0x112: {  	[tilespmem:$0x5670] =	vst v2  }
0x113: {  	[tilespmem:$0x5680] =	vst v2  }
0x114: {  	[tilespmem:$0x5690] =	vst v2  }
0x115: {  	[tilespmem:$0x56A0] =	vst v2  }
0x116: {  	[tilespmem:$0x56B0] =	vst v2  }
0x117: {  	[tilespmem:$0x56C0] =	vst v2  }
0x118: {  	[tilespmem:$0x56D0] =	vst v2  }
0x119: {  	[tilespmem:$0x56E0] =	vst v2  }
0x11a: {  	[tilespmem:$0x56F0] =	vst v2  }
0x11b: {  	[tilespmem:$0x5700] =	vst v2  }
0x11c: {  	[tilespmem:$0x5710] =	vst v2  }
0x11d: {  	[tilespmem:$0x5720] =	vst v2  }
0x11e: {  	[tilespmem:$0x5730] =	vst v2  }
0x11f: {  	[tilespmem:$0x5740] =	vst v2  }
0x120: {  	[tilespmem:$0x5750] =	vst v2  }
0x121: {  	[tilespmem:$0x5760] =	vst v2  }
0x122: {  	[tilespmem:$0x5770] =	vst v2  }
0x123: {  	[tilespmem:$0x5780] =	vst v2  }
0x124: {  	[tilespmem:$0x5790] =	vst v2  }
0x125: {  	[tilespmem:$0x57A0] =	vst v2  }
0x126: {  	[tilespmem:$0x57B0] =	vst v2  }
0x127: {  	[tilespmem:$0x57C0] =	vst v2  }
0x128: {  	[tilespmem:$0x57D0] =	vst v2  }
0x129: {  	[tilespmem:$0x57E0] =	vst v2  }
0x12a: {  	[tilespmem:$0x57F0] =	vst v2  }
0x12b: {  	[tilespmem:$0x5800] =	vst v2  }
0x12c: {  	[tilespmem:$0x5810] =	vst v2  }
0x12d: {  	[tilespmem:$0x5820] =	vst v2  }
0x12e: {  	[tilespmem:$0x5830] =	vst v2  }
0x12f: {  	[tilespmem:$0x5840] =	vst v2  }
0x130: {  	[tilespmem:$0x5850] =	vst v2  }
0x131: {  	[tilespmem:$0x5860] =	vst v2  }
0x132: {  	[tilespmem:$0x5870] =	vst v2  }
0x133: {  	[tilespmem:$0x5880] =	vst v2  }
0x134: {  	[tilespmem:$0x5890] =	vst v2  }
0x135: {  	[tilespmem:$0x58A0] =	vst v2  }
0x136: {  	[tilespmem:$0x58B0] =	vst v2  }
0x137: {  	[tilespmem:$0x58C0] =	vst v2  }
0x138: {  	[tilespmem:$0x58D0] =	vst v2  }
0x139: {  	[tilespmem:$0x58E0] =	vst v2  }
0x13a: {  	[tilespmem:$0x58F0] =	vst v2  }
0x13b: {  	[tilespmem:$0x5900] =	vst v2  }
0x13c: {  	[tilespmem:$0x5910] =	vst v2  }
0x13d: {  	[tilespmem:$0x5920] =	vst v2  }
0x13e: {  	[tilespmem:$0x5930] =	vst v2  }
0x13f: {  	[tilespmem:$0x5940] =	vst v2  }
0x140: {  	[tilespmem:$0x5950] =	vst v2  }
0x141: {  	[tilespmem:$0x5960] =	vst v2  }
0x142: {  	[tilespmem:$0x5970] =	vst v2  }
0x143: {  	[tilespmem:$0x5980] =	vst v2  }
0x144: {  	[tilespmem:$0x5990] =	vst v2  }
0x145: {  	[tilespmem:$0x59A0] =	vst v2  }
0x146: {  	[tilespmem:$0x59B0] =	vst v2  }
0x147: {  	[tilespmem:$0x59C0] =	vst v2  }
0x148: {  	s13 =	sadd.s32 $0x1, s13;
	[tilespmem:$0x59D0] =	vst v2  }
0x149: {  	p0 =	sne.s32 s13, s7;
	[tilespmem:$0x59E0] =	vst v2  }
.Ltmp1:
0x14a: {  	[tilespmem:$0x59F0] =	vst v2;
	(pc) =	sbr.rel @p0 .LBB2_1-.Ltmp1, $4  }
0x14b: {  	[hbm4b:s6+s8] =	stream.strided.scatter [tilespmem:s12], [sflag:$0x1], $0x1000, s9, s8, $0x38;
	[tilespmem:$0x5A00] =	vst v63  }
0x14c: {  	_ =	swait.ge [sflag:s10], $0x1000  }
0x14d: {  	[sflag:s10] =	ssyncset.done $0x0  }
0x14e: {  	[sflag:s10] =	ssyncadd.s32 $0xFFFFF000  }
0x14f: {  	_ =	sfence.sel $0x180000  }
0x150: {  	[bflag:$0x0] =	sbarrier.arrive $0xFFFF  }
0x151: {  	p0 =	sne.s32 s3, $0x0;
	_ =	strace $0x90000047  }
0x152: {  	s0 =	sadd.s32 @!p0 $0x100000, s0;
	[bflag:$0x2] =	sbarrier.arrive $0xFFFF  }
0x153: {  	[sflag:s0] =	ssyncadd.tile.s32 @!p0 $0x1;
	_ =	shalt  }
.Lfunc_end2:
_tile_overlayer_lowered:
.L_overlay_start_2:
0x154: {  	(tag) =	ssettag $0x2  }
0x155: {  	s0 =	rddreg [dreg:$0x0];
	s2 =	stileid.u32  }
0x156: {  	s1 =	rddreg [dreg:$0x1];
	p0 =	sne.s32 s2, $0x0  }
0x157: {  	s3 =	rddreg [dreg:$0x2];
	[bflag:$0x3] =	sbarrier.arrive $0xFFFF;
	s2 =	simm.s32 @!p0 $0x1C01  }
0x158: {  	[timem:s3], [sflag:s2] =	dma.local @!p0 [hbm:s0], s1  }
0x159: {  	s0 =	simm.s32 @!p0 $0x1  }
0x15a: {  	_ =	swait.ge @!p0 [sflag:s0], s1  }
0x15b: {  	s1 =	ssub.s32 @!p0 $0x0, s1;
	[sflag:s0] =	ssyncset.done @!p0 $0x0  }
0x15c: {  	[sflag:s0] =	ssyncadd.s32 @!p0 s1  }
0x15d: {  	[bflag:$0x3] =	sbarrier.arrive $0xFFFF  }
0x15e: {  	_ =	shalt  }

</sc_bundles>
